<compile_context>
chip_gen: v7x
topology: tpu7x:2x2x1
jax: 0.10.2.dev20260603
libtpu: 0.0.44.dev20260713+nightly
codegen_flags: <defaults>
</compile_context>

<pallas_src>
import functools

import jax
import jax.numpy as jnp
from jax import lax
from jax.experimental import pallas as pl
from jax.experimental.pallas import tpu as pltpu
from jax.experimental.pallas import tpu_sc as plsc

_EPS = 1e-8


def _inv_norm(x):
    s = jnp.sum(x * x, axis=1, keepdims=True)
    return jnp.where(s > _EPS * _EPS, lax.rsqrt(s), 1.0 / _EPS)


def _sc_gather(table, pos_pairs, neg_pairs):
    V, D = table.shape
    P = pos_pairs.shape[1]
    K = neg_pairs.shape[1]
    info = plsc.get_sparse_core_info()
    NW = info.num_cores * info.num_subcores
    chunk = P // NW
    assert chunk == 128 and K == P
    mesh = plsc.VectorSubcoreMesh(core_axis_name="c", subcore_axis_name="s")

    @functools.partial(
        pl.kernel,
        mesh=mesh,
        out_type=jax.ShapeDtypeStruct((2 * P + K, D), jnp.float32),
        scratch_types=[
            pltpu.VMEM((3, chunk), jnp.int32),
            pltpu.VMEM((3, chunk, D), jnp.float32),
            pltpu.SemaphoreType.DMA,
            pltpu.SemaphoreType.DMA,
        ],
    )
    def gather_kernel(table_hbm, pp_hbm, np_hbm, out_hbm, idx_v, rows_v,
                      gsem, wsem):
        wid = lax.axis_index("s") * info.num_cores + lax.axis_index("c")
        off = wid * chunk
        pltpu.sync_copy(pp_hbm.at[0, pl.ds(off, chunk)], idx_v.at[0])
        pltpu.sync_copy(pp_hbm.at[1, pl.ds(off, chunk)], idx_v.at[1])
        pltpu.sync_copy(np_hbm.at[1, pl.ds(off, chunk)], idx_v.at[2])
        gathers = [
            pltpu.async_copy(table_hbm.at[idx_v.at[j]], rows_v.at[j], gsem)
            for j in range(3)
        ]
        writes = []
        for j in range(3):
            gathers[j].wait()
            writes.append(
                pltpu.async_copy(rows_v.at[j],
                                 out_hbm.at[pl.ds(j * P + off, chunk)],
                                 wsem))
        for w in writes:
            w.wait()

    return gather_kernel(table, pos_pairs, neg_pairs)


def _flash_body(P, NB, KB, n_valid, temp_ref, a_ref, pos_ref, neg_ref,
                lg_ref, lb_ref, out_ref, an_ref, ps_ref, acc_ref):
    k = pl.program_id(0)
    inv_t = 1.0 / temp_ref[0]
    log2e = 1.4426950408889634

    @pl.when(k == 0)
    def _init():
        a = a_ref[...]
        a_n = a * _inv_norm(a)
        an_ref[...] = (a_n * (inv_t * log2e)).astype(jnp.bfloat16)
        p = pos_ref[...]
        p_n = p * _inv_norm(p)
        ps2 = jnp.sum(a_n * p_n, axis=1, keepdims=True) * (inv_t * log2e)
        ps_ref[...] = ps2
        acc_ref[...] = jnp.zeros_like(acc_ref)
        acc_ref[:, :1] = jnp.exp2(ps2)

    nb = neg_ref[...]
    n_n = nb * _inv_norm(nb)
    sims2 = lax.dot_general(
        an_ref[...], n_n.astype(jnp.bfloat16), (((1,), (1,)), ((), ())),
        preferred_element_type=jnp.float32,
        precision=lax.Precision.DEFAULT)
    e = jnp.exp2(sims2.astype(jnp.bfloat16))
    part = sum(e[:, i * 128:(i + 1) * 128] for i in range(NB // 128))
    acc_ref[...] += part.astype(jnp.float32)

    @pl.when(k == KB - 1)
    def _finish():
        row = jnp.sum(acc_ref[...], axis=1, keepdims=True)
        per_anchor = (jnp.log2(row) - ps_ref[...]) / log2e
        nce = jnp.sum(per_anchor) / P
        lg = lg_ref[...]
        lb = lb_ref[...]
        sp = jnp.maximum(-lg, 0.0) + jnp.log1p(jnp.exp(-jnp.abs(lg)))
        bce = jnp.sum(sp + (1.0 - lb) * lg) / n_valid
        out_ref[0, 0] = 0.5 * bce + nce


def _flash_loss(temperature, gathered, logits_pad, labels_pad, P, K, F,
                n_valid):
    NB = 2048
    assert K % NB == 0
    KB = K // NB
    rows_l, lanes = logits_pad.shape
    body = functools.partial(_flash_body, P, NB, KB, n_valid)
    out = pl.pallas_call(
        body,
        grid=(KB,),
        in_specs=[
            pl.BlockSpec(memory_space=pltpu.SMEM),
            pl.BlockSpec((P, F), lambda k: (0, 0)),
            pl.BlockSpec((P, F), lambda k: (1, 0)),
            pl.BlockSpec((NB, F), lambda k: (2 * P // NB + k, 0)),
            pl.BlockSpec((rows_l, lanes), lambda k: (0, 0)),
            pl.BlockSpec((rows_l, lanes), lambda k: (0, 0)),
        ],
        out_specs=pl.BlockSpec(memory_space=pltpu.SMEM),
        out_shape=jax.ShapeDtypeStruct((1, 1), jnp.float32),
        scratch_shapes=[
            pltpu.VMEM((P, F), jnp.bfloat16),
            pltpu.VMEM((P, 1), jnp.float32),
            pltpu.VMEM((P, 128), jnp.float32),
        ],
    )(jnp.reshape(temperature, (1,)), gathered, gathered, gathered,
      logits_pad, labels_pad)
    return out[0, 0]


def kernel(logits, labels, node_embeddings, pos_pairs, neg_pairs, temperature):
    N, F = node_embeddings.shape
    P = pos_pairs.shape[1]
    K = neg_pairs.shape[1]

    gathered = _sc_gather(node_embeddings, pos_pairs, neg_pairs)

    lg = jnp.reshape(jnp.squeeze(logits), (-1,))
    n_valid = lg.shape[0]
    cols = 125 if n_valid % 125 == 0 else 128
    assert n_valid % cols == 0
    lg_pad = jnp.reshape(lg, (-1, cols))
    lb_pad = jnp.reshape(labels, (-1, cols))

    return _flash_loss(temperature.astype(jnp.float32), gathered,
                       lg_pad, lb_pad, P, K, F, n_valid)

# --- scband reference (transcript-rebuilt; emitter-appended) ---
"""Pipeline reference for scband-e2-rgatloss-20959440405252 (READ-ONLY COPY).

The authoritative reference and input builder live on the scoring server;
editing this copy changes nothing except your own understanding.
"""

import jax, jax.numpy as jnp
import numpy as np


def setup_inputs(seed: int = 0) -> dict:
    key = jax.random.key(seed)
    ks = jax.random.split(key, 6)
    N, F, P, K = 10000, 256, 4096, 4096
    logits = jax.random.normal(ks[0], (N,), dtype=jnp.float32)
    labels = jax.random.uniform(ks[1], (N,), dtype=jnp.float32)
    node_embeddings = jax.random.normal(ks[2], (N, F), dtype=jnp.float32)
    pos_pairs = jax.random.randint(ks[3], (2, P), 0, N, dtype=jnp.int32)
    neg_pairs = jax.random.randint(ks[4], (2, K), 0, N, dtype=jnp.int32)
    temperature = jnp.asarray(0.2, dtype=jnp.float32)  # learnable temperature param
    return {
        "logits": logits,
        "labels": labels,
        "node_embeddings": node_embeddings,
        "pos_pairs": pos_pairs,
        "neg_pairs": neg_pairs,
        "temperature": temperature,
    }


def _bce_with_logits(logits, labels):
    # numerically stable BCEWithLogitsLoss (mean reduction)
    return -jnp.mean(labels * jax.nn.log_sigmoid(logits) + (1.0 - labels) * jax.nn.log_sigmoid(-logits))


def _info_nce(h, pos_pairs, neg_pairs, temperature, eps=1e-8):
    # vectorized, mathematically identical to the per-anchor loop in
    # CustomLossFunctions.info_nce_loss with a shared negative pool and
    # shared learnable temperature (relation_types all equal -> single group).
    norms = jnp.linalg.norm(h, axis=1, keepdims=True)
    hn = h / jnp.maximum(norms, eps)
    anchors = pos_pairs[0]
    positives = pos_pairs[1]
    negs = neg_pairs[1]
    a = hn[anchors]                                   # (P, F) gather
    pos_sim = jnp.sum(a * hn[positives], axis=1) / temperature        # (P,)
    neg_sims = (a @ hn[negs].T) / temperature                         # (P, K)
    all_sims = jnp.concatenate([pos_sim[:, None], neg_sims], axis=1)  # (P, 1+K)
    # per-anchor: -(pos_sim - logsumexp(all_sims)); max-subtraction in the
    # original is pure numerical stabilization, folded into logsumexp here
    per_anchor = jax.nn.logsumexp(all_sims, axis=1) - pos_sim
    return jnp.mean(per_anchor)


def reference(logits, labels, node_embeddings, pos_pairs, neg_pairs, temperature):
    alpha_model = 0.5
    alpha_custom = 1.0
    model_loss = _bce_with_logits(jnp.squeeze(logits), labels)
    custom_loss = _info_nce(node_embeddings, pos_pairs, neg_pairs, temperature)
    total = alpha_model * model_loss + alpha_custom * custom_loss
    return total

if __name__ == "__main__":
    import jax
    _d = setup_inputs()
    print(jax.jit(kernel)(*tuple(_d.values())))

</pallas_src>

<mosaic_0001>
#map = affine_map<(d0, d1) -> (0, 0)>
module attributes {stable_mosaic.version = 14 : i64} {
  func.func @gather_kernel(%arg0: i32, %arg1: i32, %arg2: memref<10000x256xf32, #tpu.memory_space<hbm>>, %arg3: memref<2x4096xi32, #tpu.memory_space<hbm>>, %arg4: memref<2x4096xi32, #tpu.memory_space<hbm>>, %arg5: memref<12288x256xf32, #tpu.memory_space<hbm>>, %arg6: memref<3x128xi32, #tpu.memory_space<vmem>>, %arg7: memref<3x128x256xf32, #tpu.memory_space<vmem>>, %arg8: memref<!tpu.dma_semaphore, #tpu.memory_space<semaphore_mem>>, %arg9: memref<!tpu.dma_semaphore, #tpu.memory_space<semaphore_mem>>) attributes {dimension_semantics = [#tpu.dimension_semantics<core_parallel>, #tpu.dimension_semantics<subcore_parallel>], iteration_bounds = array<i64: 2, 16>, scalar_prefetch = 0 : i64, scratch_operands = 4 : i64, tpu.core_type = #tpu.core_type<sc_vector_subcore>, window_params = [{transform_indices = #map}, {transform_indices = #map}, {transform_indices = #map}, {transform_indices = #map}]} {
    %mul3A = arith.constant 2 : i32
    %mul3A_0 = arith.muli %arg1, %mul3A : i32
    %add3A = arith.addi %mul3A_0, %arg0 : i32
    %mul3A_1 = arith.constant 128 : i32
    %mul3A_2 = arith.muli %add3A, %mul3A_1 : i32
    %run_scoped3A = arith.constant 0 : i32
    %run_scoped3A_3 = arith.constant 0 : i32
    "tpu.region"() ({
      %run_scoped3A_162 = tpu.sem_alloc : memref<!tpu.dma_semaphore, #tpu.memory_space<semaphore_mem>>
      %dma_start3A_163 = arith.constant 0 : i32
      %dma_start3A_164 = tpu.memref_slice %arg6[%run_scoped3A_3, %dma_start3A_163] : memref<3x128xi32, #tpu.memory_space<vmem>> -> memref<1x128xi32, #tpu.memory_space<vmem>>
      %dma_start3A_165 = tpu.memref_squeeze %dma_start3A_164 : memref<1x128xi32, #tpu.memory_space<vmem>> -> memref<128xi32, #tpu.memory_space<vmem>>
      %dma_start3A_166 = tpu.memref_slice %arg3[%run_scoped3A, %mul3A_2] : memref<2x4096xi32, #tpu.memory_space<hbm>> -> memref<1x128xi32, #tpu.memory_space<hbm>>
      %dma_start3A_167 = tpu.memref_squeeze %dma_start3A_166 : memref<1x128xi32, #tpu.memory_space<hbm>> -> memref<128xi32, #tpu.memory_space<hbm>>
      %dma_start3A_168 = arith.constant 0 : i32
      %dma_start3A_169 = tpu.memref_slice %arg6[%run_scoped3A_3, %dma_start3A_168] : memref<3x128xi32, #tpu.memory_space<vmem>> -> memref<1x128xi32, #tpu.memory_space<vmem>>
      %dma_start3A_170 = tpu.memref_squeeze %dma_start3A_169 : memref<1x128xi32, #tpu.memory_space<vmem>> -> memref<128xi32, #tpu.memory_space<vmem>>
      %dma_start3A_171 = tpu.memref_slice %arg3[%run_scoped3A, %mul3A_2] : memref<2x4096xi32, #tpu.memory_space<hbm>> -> memref<1x128xi32, #tpu.memory_space<hbm>>
      %dma_start3A_172 = tpu.memref_squeeze %dma_start3A_171 : memref<1x128xi32, #tpu.memory_space<hbm>> -> memref<128xi32, #tpu.memory_space<hbm>>
      tpu.enqueue_dma source(%dma_start3A_172 : memref<128xi32, #tpu.memory_space<hbm>>) target(%dma_start3A_170 : memref<128xi32, #tpu.memory_space<vmem>>) target_semaphore(%run_scoped3A_162 : memref<!tpu.dma_semaphore, #tpu.memory_space<semaphore_mem>>)
      %dma_wait3A_173 = arith.constant 0 : i32
      %dma_wait3A_174 = tpu.memref_slice %arg6[%run_scoped3A_3, %dma_wait3A_173] : memref<3x128xi32, #tpu.memory_space<vmem>> -> memref<1x128xi32, #tpu.memory_space<vmem>>
      %dma_wait3A_175 = tpu.memref_squeeze %dma_wait3A_174 : memref<1x128xi32, #tpu.memory_space<vmem>> -> memref<128xi32, #tpu.memory_space<vmem>>
      %dma_wait3A_176 = tpu.memref_slice %arg3[%run_scoped3A, %mul3A_2] : memref<2x4096xi32, #tpu.memory_space<hbm>> -> memref<1x128xi32, #tpu.memory_space<hbm>>
      %dma_wait3A_177 = tpu.memref_squeeze %dma_wait3A_176 : memref<1x128xi32, #tpu.memory_space<hbm>> -> memref<128xi32, #tpu.memory_space<hbm>>
      %dma_wait3A_178 = arith.constant 0 : i32
      %dma_wait3A_179 = tpu.memref_slice %arg6[%run_scoped3A_3, %dma_wait3A_178] : memref<3x128xi32, #tpu.memory_space<vmem>> -> memref<1x128xi32, #tpu.memory_space<vmem>>
      %dma_wait3A_180 = tpu.memref_squeeze %dma_wait3A_179 : memref<1x128xi32, #tpu.memory_space<vmem>> -> memref<128xi32, #tpu.memory_space<vmem>>
      %dma_wait3A_181 = tpu.memref_slice %arg3[%run_scoped3A, %mul3A_2] : memref<2x4096xi32, #tpu.memory_space<hbm>> -> memref<1x128xi32, #tpu.memory_space<hbm>>
      %dma_wait3A_182 = tpu.memref_squeeze %dma_wait3A_181 : memref<1x128xi32, #tpu.memory_space<hbm>> -> memref<128xi32, #tpu.memory_space<hbm>>
      tpu.wait_dma2 semaphore(%run_scoped3A_162 : memref<!tpu.dma_semaphore, #tpu.memory_space<semaphore_mem>>) src(%dma_wait3A_182 : memref<128xi32, #tpu.memory_space<hbm>>) dst(%dma_wait3A_180 : memref<128xi32, #tpu.memory_space<vmem>>)
      tpu.yield
    }) : () -> ()
    %run_scoped3A_4 = arith.constant 1 : i32
    %run_scoped3A_5 = arith.constant 1 : i32
    "tpu.region"() ({
      %run_scoped3A_162 = tpu.sem_alloc : memref<!tpu.dma_semaphore, #tpu.memory_space<semaphore_mem>>
      %dma_start3A_163 = arith.constant 0 : i32
      %dma_start3A_164 = tpu.memref_slice %arg6[%run_scoped3A_5, %dma_start3A_163] : memref<3x128xi32, #tpu.memory_space<vmem>> -> memref<1x128xi32, #tpu.memory_space<vmem>>
      %dma_start3A_165 = tpu.memref_squeeze %dma_start3A_164 : memref<1x128xi32, #tpu.memory_space<vmem>> -> memref<128xi32, #tpu.memory_space<vmem>>
      %dma_start3A_166 = tpu.memref_slice %arg3[%run_scoped3A_4, %mul3A_2] : memref<2x4096xi32, #tpu.memory_space<hbm>> -> memref<1x128xi32, #tpu.memory_space<hbm>>
      %dma_start3A_167 = tpu.memref_squeeze %dma_start3A_166 : memref<1x128xi32, #tpu.memory_space<hbm>> -> memref<128xi32, #tpu.memory_space<hbm>>
      %dma_start3A_168 = arith.constant 0 : i32
      %dma_start3A_169 = tpu.memref_slice %arg6[%run_scoped3A_5, %dma_start3A_168] : memref<3x128xi32, #tpu.memory_space<vmem>> -> memref<1x128xi32, #tpu.memory_space<vmem>>
      %dma_start3A_170 = tpu.memref_squeeze %dma_start3A_169 : memref<1x128xi32, #tpu.memory_space<vmem>> -> memref<128xi32, #tpu.memory_space<vmem>>
      %dma_start3A_171 = tpu.memref_slice %arg3[%run_scoped3A_4, %mul3A_2] : memref<2x4096xi32, #tpu.memory_space<hbm>> -> memref<1x128xi32, #tpu.memory_space<hbm>>
      %dma_start3A_172 = tpu.memref_squeeze %dma_start3A_171 : memref<1x128xi32, #tpu.memory_space<hbm>> -> memref<128xi32, #tpu.memory_space<hbm>>
      tpu.enqueue_dma source(%dma_start3A_172 : memref<128xi32, #tpu.memory_space<hbm>>) target(%dma_start3A_170 : memref<128xi32, #tpu.memory_space<vmem>>) target_semaphore(%run_scoped3A_162 : memref<!tpu.dma_semaphore, #tpu.memory_space<semaphore_mem>>)
      %dma_wait3A_173 = arith.constant 0 : i32
      %dma_wait3A_174 = tpu.memref_slice %arg6[%run_scoped3A_5, %dma_wait3A_173] : memref<3x128xi32, #tpu.memory_space<vmem>> -> memref<1x128xi32, #tpu.memory_space<vmem>>
      %dma_wait3A_175 = tpu.memref_squeeze %dma_wait3A_174 : memref<1x128xi32, #tpu.memory_space<vmem>> -> memref<128xi32, #tpu.memory_space<vmem>>
      %dma_wait3A_176 = tpu.memref_slice %arg3[%run_scoped3A_4, %mul3A_2] : memref<2x4096xi32, #tpu.memory_space<hbm>> -> memref<1x128xi32, #tpu.memory_space<hbm>>
      %dma_wait3A_177 = tpu.memref_squeeze %dma_wait3A_176 : memref<1x128xi32, #tpu.memory_space<hbm>> -> memref<128xi32, #tpu.memory_space<hbm>>
      %dma_wait3A_178 = arith.constant 0 : i32
      %dma_wait3A_179 = tpu.memref_slice %arg6[%run_scoped3A_5, %dma_wait3A_178] : memref<3x128xi32, #tpu.memory_space<vmem>> -> memref<1x128xi32, #tpu.memory_space<vmem>>
      %dma_wait3A_180 = tpu.memref_squeeze %dma_wait3A_179 : memref<1x128xi32, #tpu.memory_space<vmem>> -> memref<128xi32, #tpu.memory_space<vmem>>
      %dma_wait3A_181 = tpu.memref_slice %arg3[%run_scoped3A_4, %mul3A_2] : memref<2x4096xi32, #tpu.memory_space<hbm>> -> memref<1x128xi32, #tpu.memory_space<hbm>>
      %dma_wait3A_182 = tpu.memref_squeeze %dma_wait3A_181 : memref<1x128xi32, #tpu.memory_space<hbm>> -> memref<128xi32, #tpu.memory_space<hbm>>
      tpu.wait_dma2 semaphore(%run_scoped3A_162 : memref<!tpu.dma_semaphore, #tpu.memory_space<semaphore_mem>>) src(%dma_wait3A_182 : memref<128xi32, #tpu.memory_space<hbm>>) dst(%dma_wait3A_180 : memref<128xi32, #tpu.memory_space<vmem>>)
      tpu.yield
    }) : () -> ()
    %run_scoped3A_6 = arith.constant 1 : i32
    %run_scoped3A_7 = arith.constant 2 : i32
    "tpu.region"() ({
      %run_scoped3A_162 = tpu.sem_alloc : memref<!tpu.dma_semaphore, #tpu.memory_space<semaphore_mem>>
      %dma_start3A_163 = arith.constant 0 : i32
      %dma_start3A_164 = tpu.memref_slice %arg6[%run_scoped3A_7, %dma_start3A_163] : memref<3x128xi32, #tpu.memory_space<vmem>> -> memref<1x128xi32, #tpu.memory_space<vmem>>
      %dma_start3A_165 = tpu.memref_squeeze %dma_start3A_164 : memref<1x128xi32, #tpu.memory_space<vmem>> -> memref<128xi32, #tpu.memory_space<vmem>>
      %dma_start3A_166 = tpu.memref_slice %arg4[%run_scoped3A_6, %mul3A_2] : memref<2x4096xi32, #tpu.memory_space<hbm>> -> memref<1x128xi32, #tpu.memory_space<hbm>>
      %dma_start3A_167 = tpu.memref_squeeze %dma_start3A_166 : memref<1x128xi32, #tpu.memory_space<hbm>> -> memref<128xi32, #tpu.memory_space<hbm>>
      %dma_start3A_168 = arith.constant 0 : i32
      %dma_start3A_169 = tpu.memref_slice %arg6[%run_scoped3A_7, %dma_start3A_168] : memref<3x128xi32, #tpu.memory_space<vmem>> -> memref<1x128xi32, #tpu.memory_space<vmem>>
      %dma_start3A_170 = tpu.memref_squeeze %dma_start3A_169 : memref<1x128xi32, #tpu.memory_space<vmem>> -> memref<128xi32, #tpu.memory_space<vmem>>
      %dma_start3A_171 = tpu.memref_slice %arg4[%run_scoped3A_6, %mul3A_2] : memref<2x4096xi32, #tpu.memory_space<hbm>> -> memref<1x128xi32, #tpu.memory_space<hbm>>
      %dma_start3A_172 = tpu.memref_squeeze %dma_start3A_171 : memref<1x128xi32, #tpu.memory_space<hbm>> -> memref<128xi32, #tpu.memory_space<hbm>>
      tpu.enqueue_dma source(%dma_start3A_172 : memref<128xi32, #tpu.memory_space<hbm>>) target(%dma_start3A_170 : memref<128xi32, #tpu.memory_space<vmem>>) target_semaphore(%run_scoped3A_162 : memref<!tpu.dma_semaphore, #tpu.memory_space<semaphore_mem>>)
      %dma_wait3A_173 = arith.constant 0 : i32
      %dma_wait3A_174 = tpu.memref_slice %arg6[%run_scoped3A_7, %dma_wait3A_173] : memref<3x128xi32, #tpu.memory_space<vmem>> -> memref<1x128xi32, #tpu.memory_space<vmem>>
      %dma_wait3A_175 = tpu.memref_squeeze %dma_wait3A_174 : memref<1x128xi32, #tpu.memory_space<vmem>> -> memref<128xi32, #tpu.memory_space<vmem>>
      %dma_wait3A_176 = tpu.memref_slice %arg4[%run_scoped3A_6, %mul3A_2] : memref<2x4096xi32, #tpu.memory_space<hbm>> -> memref<1x128xi32, #tpu.memory_space<hbm>>
      %dma_wait3A_177 = tpu.memref_squeeze %dma_wait3A_176 : memref<1x128xi32, #tpu.memory_space<hbm>> -> memref<128xi32, #tpu.memory_space<hbm>>
      %dma_wait3A_178 = arith.constant 0 : i32
      %dma_wait3A_179 = tpu.memref_slice %arg6[%run_scoped3A_7, %dma_wait3A_178] : memref<3x128xi32, #tpu.memory_space<vmem>> -> memref<1x128xi32, #tpu.memory_space<vmem>>
      %dma_wait3A_180 = tpu.memref_squeeze %dma_wait3A_179 : memref<1x128xi32, #tpu.memory_space<vmem>> -> memref<128xi32, #tpu.memory_space<vmem>>
      %dma_wait3A_181 = tpu.memref_slice %arg4[%run_scoped3A_6, %mul3A_2] : memref<2x4096xi32, #tpu.memory_space<hbm>> -> memref<1x128xi32, #tpu.memory_space<hbm>>
      %dma_wait3A_182 = tpu.memref_squeeze %dma_wait3A_181 : memref<1x128xi32, #tpu.memory_space<hbm>> -> memref<128xi32, #tpu.memory_space<hbm>>
      tpu.wait_dma2 semaphore(%run_scoped3A_162 : memref<!tpu.dma_semaphore, #tpu.memory_space<semaphore_mem>>) src(%dma_wait3A_182 : memref<128xi32, #tpu.memory_space<hbm>>) dst(%dma_wait3A_180 : memref<128xi32, #tpu.memory_space<vmem>>)
      tpu.yield
    }) : () -> ()
    %dma_start3A = arith.constant 0 : i32
    %dma_start3A_8 = arith.constant 0 : i32
    %dma_start3A_9 = arith.constant 0 : i32
    %dma_start3A_10 = arith.constant 0 : i32
    %dma_start3A_11 = tpu.memref_slice %arg7[%dma_start3A_8, %dma_start3A_9, %dma_start3A_10] : memref<3x128x256xf32, #tpu.memory_space<vmem>> -> memref<1x128x256xf32, #tpu.memory_space<vmem>>
    %dma_start3A_12 = tpu.memref_squeeze %dma_start3A_11 : memref<1x128x256xf32, #tpu.memory_space<vmem>> -> memref<128x256xf32, #tpu.memory_space<vmem>>
    %dma_start3A_13 = arith.constant 0 : i32
    %dma_start3A_14 = tpu.memref_slice %arg6[%dma_start3A, %dma_start3A_13] : memref<3x128xi32, #tpu.memory_space<vmem>> -> memref<1x128xi32, #tpu.memory_space<vmem>>
    %dma_start3A_15 = tpu.memref_squeeze %dma_start3A_14 : memref<1x128xi32, #tpu.memory_space<vmem>> -> memref<128xi32, #tpu.memory_space<vmem>>
    %dma_start3A_16 = arith.constant 0 : i32
    %dma_start3A_17 = arith.constant 0 : i32
    %dma_start3A_18 = tpu.memref_slice %arg2[%dma_start3A_16, %dma_start3A_17] : memref<10000x256xf32, #tpu.memory_space<hbm>> -> memref<10000x256xf32, #tpu.memory_space<hbm>>
    tpu.enqueue_indirect_dma source(%dma_start3A_18 : memref<10000x256xf32, #tpu.memory_space<hbm>>) target(%dma_start3A_12 : memref<128x256xf32, #tpu.memory_space<vmem>>) offsets(%dma_start3A_15 : memref<128xi32, #tpu.memory_space<vmem>>) semaphore(%arg8 : memref<!tpu.dma_semaphore, #tpu.memory_space<semaphore_mem>>)
    %dma_start3A_19 = arith.constant 1 : i32
    %dma_start3A_20 = arith.constant 1 : i32
    %dma_start3A_21 = arith.constant 0 : i32
    %dma_start3A_22 = arith.constant 0 : i32
    %dma_start3A_23 = tpu.memref_slice %arg7[%dma_start3A_20, %dma_start3A_21, %dma_start3A_22] : memref<3x128x256xf32, #tpu.memory_space<vmem>> -> memref<1x128x256xf32, #tpu.memory_space<vmem>>
    %dma_start3A_24 = tpu.memref_squeeze %dma_start3A_23 : memref<1x128x256xf32, #tpu.memory_space<vmem>> -> memref<128x256xf32, #tpu.memory_space<vmem>>
    %dma_start3A_25 = arith.constant 0 : i32
    %dma_start3A_26 = tpu.memref_slice %arg6[%dma_start3A_19, %dma_start3A_25] : memref<3x128xi32, #tpu.memory_space<vmem>> -> memref<1x128xi32, #tpu.memory_space<vmem>>
    %dma_start3A_27 = tpu.memref_squeeze %dma_start3A_26 : memref<1x128xi32, #tpu.memory_space<vmem>> -> memref<128xi32, #tpu.memory_space<vmem>>
    %dma_start3A_28 = arith.constant 0 : i32
    %dma_start3A_29 = arith.constant 0 : i32
    %dma_start3A_30 = tpu.memref_slice %arg2[%dma_start3A_28, %dma_start3A_29] : memref<10000x256xf32, #tpu.memory_space<hbm>> -> memref<10000x256xf32, #tpu.memory_space<hbm>>
    tpu.enqueue_indirect_dma source(%dma_start3A_30 : memref<10000x256xf32, #tpu.memory_space<hbm>>) target(%dma_start3A_24 : memref<128x256xf32, #tpu.memory_space<vmem>>) offsets(%dma_start3A_27 : memref<128xi32, #tpu.memory_space<vmem>>) semaphore(%arg8 : memref<!tpu.dma_semaphore, #tpu.memory_space<semaphore_mem>>)
    %dma_start3A_31 = arith.constant 2 : i32
    %dma_start3A_32 = arith.constant 2 : i32
    %dma_start3A_33 = arith.constant 0 : i32
    %dma_start3A_34 = arith.constant 0 : i32
    %dma_start3A_35 = tpu.memref_slice %arg7[%dma_start3A_32, %dma_start3A_33, %dma_start3A_34] : memref<3x128x256xf32, #tpu.memory_space<vmem>> -> memref<1x128x256xf32, #tpu.memory_space<vmem>>
    %dma_start3A_36 = tpu.memref_squeeze %dma_start3A_35 : memref<1x128x256xf32, #tpu.memory_space<vmem>> -> memref<128x256xf32, #tpu.memory_space<vmem>>
    %dma_start3A_37 = arith.constant 0 : i32
    %dma_start3A_38 = tpu.memref_slice %arg6[%dma_start3A_31, %dma_start3A_37] : memref<3x128xi32, #tpu.memory_space<vmem>> -> memref<1x128xi32, #tpu.memory_space<vmem>>
    %dma_start3A_39 = tpu.memref_squeeze %dma_start3A_38 : memref<1x128xi32, #tpu.memory_space<vmem>> -> memref<128xi32, #tpu.memory_space<vmem>>
    %dma_start3A_40 = arith.constant 0 : i32
    %dma_start3A_41 = arith.constant 0 : i32
    %dma_start3A_42 = tpu.memref_slice %arg2[%dma_start3A_40, %dma_start3A_41] : memref<10000x256xf32, #tpu.memory_space<hbm>> -> memref<10000x256xf32, #tpu.memory_space<hbm>>
    tpu.enqueue_indirect_dma source(%dma_start3A_42 : memref<10000x256xf32, #tpu.memory_space<hbm>>) target(%dma_start3A_36 : memref<128x256xf32, #tpu.memory_space<vmem>>) offsets(%dma_start3A_39 : memref<128xi32, #tpu.memory_space<vmem>>) semaphore(%arg8 : memref<!tpu.dma_semaphore, #tpu.memory_space<semaphore_mem>>)
    %dma_wait3A = arith.constant 0 : i32
    %dma_wait3A_43 = arith.constant 0 : i32
    %dma_wait3A_44 = arith.constant 0 : i32
    %dma_wait3A_45 = arith.constant 0 : i32
    %dma_wait3A_46 = tpu.memref_slice %arg7[%dma_wait3A_43, %dma_wait3A_44, %dma_wait3A_45] : memref<3x128x256xf32, #tpu.memory_space<vmem>> -> memref<1x128x256xf32, #tpu.memory_space<vmem>>
    %dma_wait3A_47 = tpu.memref_squeeze %dma_wait3A_46 : memref<1x128x256xf32, #tpu.memory_space<vmem>> -> memref<128x256xf32, #tpu.memory_space<vmem>>
    %dma_wait3A_48 = arith.constant 0 : i32
    %dma_wait3A_49 = tpu.memref_slice %arg6[%dma_wait3A, %dma_wait3A_48] : memref<3x128xi32, #tpu.memory_space<vmem>> -> memref<1x128xi32, #tpu.memory_space<vmem>>
    %dma_wait3A_50 = tpu.memref_squeeze %dma_wait3A_49 : memref<1x128xi32, #tpu.memory_space<vmem>> -> memref<128xi32, #tpu.memory_space<vmem>>
    %dma_wait3A_51 = arith.constant 0 : i32
    %dma_wait3A_52 = arith.constant 0 : i32
    %dma_wait3A_53 = tpu.memref_slice %arg2[%dma_wait3A_51, %dma_wait3A_52] : memref<10000x256xf32, #tpu.memory_space<hbm>> -> memref<10000x256xf32, #tpu.memory_space<hbm>>
    tpu.wait_indirect_dma semaphore(%arg8 : memref<!tpu.dma_semaphore, #tpu.memory_space<semaphore_mem>>) src(%dma_wait3A_53 : memref<10000x256xf32, #tpu.memory_space<hbm>>) dst(%dma_wait3A_47 : memref<128x256xf32, #tpu.memory_space<vmem>>)
    %add3A_54 = arith.constant 0 : i32
    %add3A_55 = arith.addi %add3A_54, %mul3A_2 : i32
    %dma_start3A_56 = arith.constant 0 : i32
    %dma_start3A_57 = arith.constant 0 : i32
    %dma_start3A_58 = arith.constant 0 : i32
    %dma_start3A_59 = tpu.memref_slice %arg7[%dma_start3A_56, %dma_start3A_57, %dma_start3A_58] : memref<3x128x256xf32, #tpu.memory_space<vmem>> -> memref<1x128x256xf32, #tpu.memory_space<vmem>>
    %dma_start3A_60 = tpu.memref_squeeze %dma_start3A_59 : memref<1x128x256xf32, #tpu.memory_space<vmem>> -> memref<128x256xf32, #tpu.memory_space<vmem>>
    %dma_start3A_61 = arith.constant 0 : i32
    %dma_start3A_62 = tpu.memref_slice %arg5[%add3A_55, %dma_start3A_61] : memref<12288x256xf32, #tpu.memory_space<hbm>> -> memref<128x256xf32, #tpu.memory_space<hbm>>
    %dma_start3A_63 = arith.constant 0 : i32
    %dma_start3A_64 = tpu.memref_slice %arg5[%add3A_55, %dma_start3A_63] : memref<12288x256xf32, #tpu.memory_space<hbm>> -> memref<128x256xf32, #tpu.memory_space<hbm>>
    %dma_start3A_65 = arith.constant 0 : i32
    %dma_start3A_66 = arith.constant 0 : i32
    %dma_start3A_67 = tpu.memref_slice %arg7[%dma_start3A_56, %dma_start3A_65, %dma_start3A_66] : memref<3x128x256xf32, #tpu.memory_space<vmem>> -> memref<1x128x256xf32, #tpu.memory_space<vmem>>
    %dma_start3A_68 = tpu.memref_squeeze %dma_start3A_67 : memref<1x128x256xf32, #tpu.memory_space<vmem>> -> memref<128x256xf32, #tpu.memory_space<vmem>>
    tpu.enqueue_dma source(%dma_start3A_68 : memref<128x256xf32, #tpu.memory_space<vmem>>) target(%dma_start3A_64 : memref<128x256xf32, #tpu.memory_space<hbm>>) target_semaphore(%arg9 : memref<!tpu.dma_semaphore, #tpu.memory_space<semaphore_mem>>)
    %dma_wait3A_69 = arith.constant 1 : i32
    %dma_wait3A_70 = arith.constant 1 : i32
    %dma_wait3A_71 = arith.constant 0 : i32
    %dma_wait3A_72 = arith.constant 0 : i32
    %dma_wait3A_73 = tpu.memref_slice %arg7[%dma_wait3A_70, %dma_wait3A_71, %dma_wait3A_72] : memref<3x128x256xf32, #tpu.memory_space<vmem>> -> memref<1x128x256xf32, #tpu.memory_space<vmem>>
    %dma_wait3A_74 = tpu.memref_squeeze %dma_wait3A_73 : memref<1x128x256xf32, #tpu.memory_space<vmem>> -> memref<128x256xf32, #tpu.memory_space<vmem>>
    %dma_wait3A_75 = arith.constant 0 : i32
    %dma_wait3A_76 = tpu.memref_slice %arg6[%dma_wait3A_69, %dma_wait3A_75] : memref<3x128xi32, #tpu.memory_space<vmem>> -> memref<1x128xi32, #tpu.memory_space<vmem>>
    %dma_wait3A_77 = tpu.memref_squeeze %dma_wait3A_76 : memref<1x128xi32, #tpu.memory_space<vmem>> -> memref<128xi32, #tpu.memory_space<vmem>>
    %dma_wait3A_78 = arith.constant 0 : i32
    %dma_wait3A_79 = arith.constant 0 : i32
    %dma_wait3A_80 = tpu.memref_slice %arg2[%dma_wait3A_78, %dma_wait3A_79] : memref<10000x256xf32, #tpu.memory_space<hbm>> -> memref<10000x256xf32, #tpu.memory_space<hbm>>
    tpu.wait_indirect_dma semaphore(%arg8 : memref<!tpu.dma_semaphore, #tpu.memory_space<semaphore_mem>>) src(%dma_wait3A_80 : memref<10000x256xf32, #tpu.memory_space<hbm>>) dst(%dma_wait3A_74 : memref<128x256xf32, #tpu.memory_space<vmem>>)
    %add3A_81 = arith.constant 4096 : i32
    %add3A_82 = arith.addi %add3A_81, %mul3A_2 : i32
    %dma_start3A_83 = arith.constant 1 : i32
    %dma_start3A_84 = arith.constant 0 : i32
    %dma_start3A_85 = arith.constant 0 : i32
    %dma_start3A_86 = tpu.memref_slice %arg7[%dma_start3A_83, %dma_start3A_84, %dma_start3A_85] : memref<3x128x256xf32, #tpu.memory_space<vmem>> -> memref<1x128x256xf32, #tpu.memory_space<vmem>>
    %dma_start3A_87 = tpu.memref_squeeze %dma_start3A_86 : memref<1x128x256xf32, #tpu.memory_space<vmem>> -> memref<128x256xf32, #tpu.memory_space<vmem>>
    %dma_start3A_88 = arith.constant 0 : i32
    %dma_start3A_89 = tpu.memref_slice %arg5[%add3A_82, %dma_start3A_88] : memref<12288x256xf32, #tpu.memory_space<hbm>> -> memref<128x256xf32, #tpu.memory_space<hbm>>
    %dma_start3A_90 = arith.constant 0 : i32
    %dma_start3A_91 = tpu.memref_slice %arg5[%add3A_82, %dma_start3A_90] : memref<12288x256xf32, #tpu.memory_space<hbm>> -> memref<128x256xf32, #tpu.memory_space<hbm>>
    %dma_start3A_92 = arith.constant 0 : i32
    %dma_start3A_93 = arith.constant 0 : i32
    %dma_start3A_94 = tpu.memref_slice %arg7[%dma_start3A_83, %dma_start3A_92, %dma_start3A_93] : memref<3x128x256xf32, #tpu.memory_space<vmem>> -> memref<1x128x256xf32, #tpu.memory_space<vmem>>
    %dma_start3A_95 = tpu.memref_squeeze %dma_start3A_94 : memref<1x128x256xf32, #tpu.memory_space<vmem>> -> memref<128x256xf32, #tpu.memory_space<vmem>>
    tpu.enqueue_dma source(%dma_start3A_95 : memref<128x256xf32, #tpu.memory_space<vmem>>) target(%dma_start3A_91 : memref<128x256xf32, #tpu.memory_space<hbm>>) target_semaphore(%arg9 : memref<!tpu.dma_semaphore, #tpu.memory_space<semaphore_mem>>)
    %dma_wait3A_96 = arith.constant 2 : i32
    %dma_wait3A_97 = arith.constant 2 : i32
    %dma_wait3A_98 = arith.constant 0 : i32
    %dma_wait3A_99 = arith.constant 0 : i32
    %dma_wait3A_100 = tpu.memref_slice %arg7[%dma_wait3A_97, %dma_wait3A_98, %dma_wait3A_99] : memref<3x128x256xf32, #tpu.memory_space<vmem>> -> memref<1x128x256xf32, #tpu.memory_space<vmem>>
    %dma_wait3A_101 = tpu.memref_squeeze %dma_wait3A_100 : memref<1x128x256xf32, #tpu.memory_space<vmem>> -> memref<128x256xf32, #tpu.memory_space<vmem>>
    %dma_wait3A_102 = arith.constant 0 : i32
    %dma_wait3A_103 = tpu.memref_slice %arg6[%dma_wait3A_96, %dma_wait3A_102] : memref<3x128xi32, #tpu.memory_space<vmem>> -> memref<1x128xi32, #tpu.memory_space<vmem>>
    %dma_wait3A_104 = tpu.memref_squeeze %dma_wait3A_103 : memref<1x128xi32, #tpu.memory_space<vmem>> -> memref<128xi32, #tpu.memory_space<vmem>>
    %dma_wait3A_105 = arith.constant 0 : i32
    %dma_wait3A_106 = arith.constant 0 : i32
    %dma_wait3A_107 = tpu.memref_slice %arg2[%dma_wait3A_105, %dma_wait3A_106] : memref<10000x256xf32, #tpu.memory_space<hbm>> -> memref<10000x256xf32, #tpu.memory_space<hbm>>
    tpu.wait_indirect_dma semaphore(%arg8 : memref<!tpu.dma_semaphore, #tpu.memory_space<semaphore_mem>>) src(%dma_wait3A_107 : memref<10000x256xf32, #tpu.memory_space<hbm>>) dst(%dma_wait3A_101 : memref<128x256xf32, #tpu.memory_space<vmem>>)
    %add3A_108 = arith.constant 8192 : i32
    %add3A_109 = arith.addi %add3A_108, %mul3A_2 : i32
    %dma_start3A_110 = arith.constant 2 : i32
    %dma_start3A_111 = arith.constant 0 : i32
    %dma_start3A_112 = arith.constant 0 : i32
    %dma_start3A_113 = tpu.memref_slice %arg7[%dma_start3A_110, %dma_start3A_111, %dma_start3A_112] : memref<3x128x256xf32, #tpu.memory_space<vmem>> -> memref<1x128x256xf32, #tpu.memory_space<vmem>>
    %dma_start3A_114 = tpu.memref_squeeze %dma_start3A_113 : memref<1x128x256xf32, #tpu.memory_space<vmem>> -> memref<128x256xf32, #tpu.memory_space<vmem>>
    %dma_start3A_115 = arith.constant 0 : i32
    %dma_start3A_116 = tpu.memref_slice %arg5[%add3A_109, %dma_start3A_115] : memref<12288x256xf32, #tpu.memory_space<hbm>> -> memref<128x256xf32, #tpu.memory_space<hbm>>
    %dma_start3A_117 = arith.constant 0 : i32
    %dma_start3A_118 = tpu.memref_slice %arg5[%add3A_109, %dma_start3A_117] : memref<12288x256xf32, #tpu.memory_space<hbm>> -> memref<128x256xf32, #tpu.memory_space<hbm>>
    %dma_start3A_119 = arith.constant 0 : i32
    %dma_start3A_120 = arith.constant 0 : i32
    %dma_start3A_121 = tpu.memref_slice %arg7[%dma_start3A_110, %dma_start3A_119, %dma_start3A_120] : memref<3x128x256xf32, #tpu.memory_space<vmem>> -> memref<1x128x256xf32, #tpu.memory_space<vmem>>
    %dma_start3A_122 = tpu.memref_squeeze %dma_start3A_121 : memref<1x128x256xf32, #tpu.memory_space<vmem>> -> memref<128x256xf32, #tpu.memory_space<vmem>>
    tpu.enqueue_dma source(%dma_start3A_122 : memref<128x256xf32, #tpu.memory_space<vmem>>) target(%dma_start3A_118 : memref<128x256xf32, #tpu.memory_space<hbm>>) target_semaphore(%arg9 : memref<!tpu.dma_semaphore, #tpu.memory_space<semaphore_mem>>)
    %dma_wait3A_123 = arith.constant 0 : i32
    %dma_wait3A_124 = arith.constant 0 : i32
    %dma_wait3A_125 = arith.constant 0 : i32
    %dma_wait3A_126 = tpu.memref_slice %arg7[%dma_wait3A_123, %dma_wait3A_124, %dma_wait3A_125] : memref<3x128x256xf32, #tpu.memory_space<vmem>> -> memref<1x128x256xf32, #tpu.memory_space<vmem>>
    %dma_wait3A_127 = tpu.memref_squeeze %dma_wait3A_126 : memref<1x128x256xf32, #tpu.memory_space<vmem>> -> memref<128x256xf32, #tpu.memory_space<vmem>>
    %dma_wait3A_128 = arith.constant 0 : i32
    %dma_wait3A_129 = tpu.memref_slice %arg5[%add3A_55, %dma_wait3A_128] : memref<12288x256xf32, #tpu.memory_space<hbm>> -> memref<128x256xf32, #tpu.memory_space<hbm>>
    %dma_wait3A_130 = arith.constant 0 : i32
    %dma_wait3A_131 = tpu.memref_slice %arg5[%add3A_55, %dma_wait3A_130] : memref<12288x256xf32, #tpu.memory_space<hbm>> -> memref<128x256xf32, #tpu.memory_space<hbm>>
    %dma_wait3A_132 = arith.constant 0 : i32
    %dma_wait3A_133 = arith.constant 0 : i32
    %dma_wait3A_134 = tpu.memref_slice %arg7[%dma_wait3A_123, %dma_wait3A_132, %dma_wait3A_133] : memref<3x128x256xf32, #tpu.memory_space<vmem>> -> memref<1x128x256xf32, #tpu.memory_space<vmem>>
    %dma_wait3A_135 = tpu.memref_squeeze %dma_wait3A_134 : memref<1x128x256xf32, #tpu.memory_space<vmem>> -> memref<128x256xf32, #tpu.memory_space<vmem>>
    tpu.wait_dma2 semaphore(%arg9 : memref<!tpu.dma_semaphore, #tpu.memory_space<semaphore_mem>>) src(%dma_wait3A_135 : memref<128x256xf32, #tpu.memory_space<vmem>>) dst(%dma_wait3A_131 : memref<128x256xf32, #tpu.memory_space<hbm>>)
    %dma_wait3A_136 = arith.constant 1 : i32
    %dma_wait3A_137 = arith.constant 0 : i32
    %dma_wait3A_138 = arith.constant 0 : i32
    %dma_wait3A_139 = tpu.memref_slice %arg7[%dma_wait3A_136, %dma_wait3A_137, %dma_wait3A_138] : memref<3x128x256xf32, #tpu.memory_space<vmem>> -> memref<1x128x256xf32, #tpu.memory_space<vmem>>
    %dma_wait3A_140 = tpu.memref_squeeze %dma_wait3A_139 : memref<1x128x256xf32, #tpu.memory_space<vmem>> -> memref<128x256xf32, #tpu.memory_space<vmem>>
    %dma_wait3A_141 = arith.constant 0 : i32
    %dma_wait3A_142 = tpu.memref_slice %arg5[%add3A_82, %dma_wait3A_141] : memref<12288x256xf32, #tpu.memory_space<hbm>> -> memref<128x256xf32, #tpu.memory_space<hbm>>
    %dma_wait3A_143 = arith.constant 0 : i32
    %dma_wait3A_144 = tpu.memref_slice %arg5[%add3A_82, %dma_wait3A_143] : memref<12288x256xf32, #tpu.memory_space<hbm>> -> memref<128x256xf32, #tpu.memory_space<hbm>>
    %dma_wait3A_145 = arith.constant 0 : i32
    %dma_wait3A_146 = arith.constant 0 : i32
    %dma_wait3A_147 = tpu.memref_slice %arg7[%dma_wait3A_136, %dma_wait3A_145, %dma_wait3A_146] : memref<3x128x256xf32, #tpu.memory_space<vmem>> -> memref<1x128x256xf32, #tpu.memory_space<vmem>>
    %dma_wait3A_148 = tpu.memref_squeeze %dma_wait3A_147 : memref<1x128x256xf32, #tpu.memory_space<vmem>> -> memref<128x256xf32, #tpu.memory_space<vmem>>
    tpu.wait_dma2 semaphore(%arg9 : memref<!tpu.dma_semaphore, #tpu.memory_space<semaphore_mem>>) src(%dma_wait3A_148 : memref<128x256xf32, #tpu.memory_space<vmem>>) dst(%dma_wait3A_144 : memref<128x256xf32, #tpu.memory_space<hbm>>)
    %dma_wait3A_149 = arith.constant 2 : i32
    %dma_wait3A_150 = arith.constant 0 : i32
    %dma_wait3A_151 = arith.constant 0 : i32
    %dma_wait3A_152 = tpu.memref_slice %arg7[%dma_wait3A_149, %dma_wait3A_150, %dma_wait3A_151] : memref<3x128x256xf32, #tpu.memory_space<vmem>> -> memref<1x128x256xf32, #tpu.memory_space<vmem>>
    %dma_wait3A_153 = tpu.memref_squeeze %dma_wait3A_152 : memref<1x128x256xf32, #tpu.memory_space<vmem>> -> memref<128x256xf32, #tpu.memory_space<vmem>>
    %dma_wait3A_154 = arith.constant 0 : i32
    %dma_wait3A_155 = tpu.memref_slice %arg5[%add3A_109, %dma_wait3A_154] : memref<12288x256xf32, #tpu.memory_space<hbm>> -> memref<128x256xf32, #tpu.memory_space<hbm>>
    %dma_wait3A_156 = arith.constant 0 : i32
    %dma_wait3A_157 = tpu.memref_slice %arg5[%add3A_109, %dma_wait3A_156] : memref<12288x256xf32, #tpu.memory_space<hbm>> -> memref<128x256xf32, #tpu.memory_space<hbm>>
    %dma_wait3A_158 = arith.constant 0 : i32
    %dma_wait3A_159 = arith.constant 0 : i32
    %dma_wait3A_160 = tpu.memref_slice %arg7[%dma_wait3A_149, %dma_wait3A_158, %dma_wait3A_159] : memref<3x128x256xf32, #tpu.memory_space<vmem>> -> memref<1x128x256xf32, #tpu.memory_space<vmem>>
    %dma_wait3A_161 = tpu.memref_squeeze %dma_wait3A_160 : memref<1x128x256xf32, #tpu.memory_space<vmem>> -> memref<128x256xf32, #tpu.memory_space<vmem>>
    tpu.wait_dma2 semaphore(%arg9 : memref<!tpu.dma_semaphore, #tpu.memory_space<semaphore_mem>>) src(%dma_wait3A_161 : memref<128x256xf32, #tpu.memory_space<vmem>>) dst(%dma_wait3A_157 : memref<128x256xf32, #tpu.memory_space<hbm>>)
    return
  }
}

module attributes {stable_mosaic.version = 14 : i64} {
  func.func @_flash_body(%arg0: i32, %arg1: memref<1xf32, #tpu.memory_space<smem>>, %arg2: memref<4096x256xf32, #tpu.memory_space<vmem>>, %arg3: memref<4096x256xf32, #tpu.memory_space<vmem>>, %arg4: memref<2048x256xf32, #tpu.memory_space<vmem>>, %arg5: memref<80x125xf32, #tpu.memory_space<vmem>>, %arg6: memref<80x125xf32, #tpu.memory_space<vmem>>, %arg7: memref<1x1xf32, #tpu.memory_space<smem>>, %arg8: memref<4096x256xbf16, #tpu.memory_space<vmem>>, %arg9: memref<4096x1xf32, #tpu.memory_space<vmem>>, %arg10: memref<4096x128xf32, #tpu.memory_space<vmem>>) attributes {dimension_semantics = [#tpu.dimension_semantics<arbitrary>], iteration_bounds = array<i64: 2>, scalar_prefetch = 0 : i64, scratch_operands = 3 : i64, tpu.core_type = #tpu.core_type<tc>, window_params = [{transform_indices = @transform_0, window_bounds = array<i64: 1>}, {transform_indices = @transform_1, window_bounds = array<i64: 4096, 256>}, {transform_indices = @transform_2, window_bounds = array<i64: 4096, 256>}, {transform_indices = @transform_3, window_bounds = array<i64: 2048, 256>}, {pipeline_mode = #tpu.pipeline_mode<synchronous>, transform_indices = @transform_4, window_bounds = array<i64: 80, 125>}, {pipeline_mode = #tpu.pipeline_mode<synchronous>, transform_indices = @transform_5, window_bounds = array<i64: 80, 125>}, {transform_indices = @transform_6, window_bounds = array<i64: 1, 1>}]} {
    %get3A = arith.constant 0 : index
    %get3A_0 = memref.load %arg1[%get3A] : memref<1xf32, #tpu.memory_space<smem>>
    %div3A = arith.constant 1.000000e+00 : f32
    %div3A_1 = arith.divf %div3A, %get3A_0 : f32
    %eq3A = arith.constant 0 : i32
    %eq3A_2 = arith.cmpi eq, %arg0, %eq3A : i32
    %convert_element_type3A = arith.extui %eq3A_2 : i1 to i32
    %cond3A = arith.constant 0 : i32
    %cond3A_3 = arith.cmpi ne, %convert_element_type3A, %cond3A : i32
    scf.if %cond3A_3 {
      %get3A_63 = arith.constant 0 : index
      %get3A_64 = arith.constant 0 : index
      %get3A_65 = vector.load %arg2[%get3A_63, %get3A_64] : memref<4096x256xf32, #tpu.memory_space<vmem>>, vector<4096x256xf32>
      %mul3A_66 = arith.mulf %get3A_65, %get3A_65 : vector<4096x256xf32>
      %reduce_sum3A_67 = arith.constant dense<0.000000e+00> : vector<4096xf32>
      %reduce_sum3A_68 = vector.multi_reduction <add>, %mul3A_66, %reduce_sum3A_67 [1] : vector<4096x256xf32> to vector<4096xf32>
      %broadcast_in_dim3A_69 = vector.shape_cast %reduce_sum3A_68 : vector<4096xf32> to vector<4096x1xf32>
      %gt3A_70 = arith.constant 1.000000e-16 : f32
      %gt3A_71 = vector.broadcast %gt3A_70 : f32 to vector<4096x1xf32>
      %gt3A_72 = arith.cmpf ogt, %broadcast_in_dim3A_69, %gt3A_71 : vector<4096x1xf32>
      %rsqrt3A_73 = math.rsqrt %broadcast_in_dim3A_69 : vector<4096x1xf32>
      %jit3A_74 = arith.constant 1.000000e+08 : f32
      %broadcast_in_dim3A_75 = vector.broadcast %jit3A_74 : f32 to vector<4096x1xf32>
      %select_n3A_76 = arith.select %gt3A_72, %rsqrt3A_73, %broadcast_in_dim3A_75 : vector<4096x1xi1>, vector<4096x1xf32>
      %mul3A_77 = vector.broadcast %select_n3A_76 : vector<4096x1xf32> to vector<4096x256xf32>
      %mul3A_78 = arith.mulf %get3A_65, %mul3A_77 : vector<4096x256xf32>
      %mul3A_79 = arith.constant 1.44269502 : f32
      %mul3A_80 = arith.mulf %div3A_1, %mul3A_79 : f32
      %mul3A_81 = vector.broadcast %mul3A_80 : f32 to vector<4096x256xf32>
      %mul3A_82 = arith.mulf %mul3A_78, %mul3A_81 : vector<4096x256xf32>
      %convert_element_type3A_83 = arith.truncf %mul3A_82 : vector<4096x256xf32> to vector<4096x256xbf16>
      %swap3A_84 = arith.constant 0 : index
      %swap3A_85 = arith.constant 0 : index
      %swap3A_86 = vector.load %arg8[%swap3A_84, %swap3A_85] : memref<4096x256xbf16, #tpu.memory_space<vmem>>, vector<4096x256xbf16>
      tpu.vector_store %arg8[%swap3A_84, %swap3A_85], %convert_element_type3A_83 {strides = array<i32>} : memref<4096x256xbf16, #tpu.memory_space<vmem>>, vector<4096x256xbf16>,
      %get3A_87 = arith.constant 0 : index
      %get3A_88 = arith.constant 0 : index
      %get3A_89 = vector.load %arg3[%get3A_87, %get3A_88] : memref<4096x256xf32, #tpu.memory_space<vmem>>, vector<4096x256xf32>
      %mul3A_90 = arith.mulf %get3A_89, %get3A_89 : vector<4096x256xf32>
      %reduce_sum3A_91 = arith.constant dense<0.000000e+00> : vector<4096xf32>
      %reduce_sum3A_92 = vector.multi_reduction <add>, %mul3A_90, %reduce_sum3A_91 [1] : vector<4096x256xf32> to vector<4096xf32>
      %broadcast_in_dim3A_93 = vector.shape_cast %reduce_sum3A_92 : vector<4096xf32> to vector<4096x1xf32>
      %gt3A_94 = arith.constant 1.000000e-16 : f32
      %gt3A_95 = vector.broadcast %gt3A_94 : f32 to vector<4096x1xf32>
      %gt3A_96 = arith.cmpf ogt, %broadcast_in_dim3A_93, %gt3A_95 : vector<4096x1xf32>
      %rsqrt3A_97 = math.rsqrt %broadcast_in_dim3A_93 : vector<4096x1xf32>
      %jit3A_98 = arith.constant 1.000000e+08 : f32
      %broadcast_in_dim3A_99 = vector.broadcast %jit3A_98 : f32 to vector<4096x1xf32>
      %select_n3A_100 = arith.select %gt3A_96, %rsqrt3A_97, %broadcast_in_dim3A_99 : vector<4096x1xi1>, vector<4096x1xf32>
      %mul3A_101 = vector.broadcast %select_n3A_100 : vector<4096x1xf32> to vector<4096x256xf32>
      %mul3A_102 = arith.mulf %get3A_89, %mul3A_101 : vector<4096x256xf32>
      %mul3A_103 = arith.mulf %mul3A_78, %mul3A_102 : vector<4096x256xf32>
      %reduce_sum3A_104 = arith.constant dense<0.000000e+00> : vector<4096xf32>
      %reduce_sum3A_105 = vector.multi_reduction <add>, %mul3A_103, %reduce_sum3A_104 [1] : vector<4096x256xf32> to vector<4096xf32>
      %broadcast_in_dim3A_106 = vector.shape_cast %reduce_sum3A_105 : vector<4096xf32> to vector<4096x1xf32>
      %mul3A_107 = arith.constant 1.44269502 : f32
      %mul3A_108 = arith.mulf %div3A_1, %mul3A_107 : f32
      %mul3A_109 = vector.broadcast %mul3A_108 : f32 to vector<4096x1xf32>
      %mul3A_110 = arith.mulf %broadcast_in_dim3A_106, %mul3A_109 : vector<4096x1xf32>
      %swap3A_111 = arith.constant 0 : index
      %swap3A_112 = arith.constant 0 : index
      %swap3A_113 = vector.load %arg9[%swap3A_111, %swap3A_112] : memref<4096x1xf32, #tpu.memory_space<vmem>>, vector<4096x1xf32>
      tpu.vector_store %arg9[%swap3A_111, %swap3A_112], %mul3A_110 {strides = array<i32>} : memref<4096x1xf32, #tpu.memory_space<vmem>>, vector<4096x1xf32>,
      %broadcast_in_dim3A_114 = arith.constant 0.000000e+00 : f32
      %broadcast_in_dim3A_115 = vector.broadcast %broadcast_in_dim3A_114 : f32 to vector<4096x128xf32>
      %swap3A_116 = arith.constant 0 : index
      %swap3A_117 = arith.constant 0 : index
      %swap3A_118 = vector.load %arg10[%swap3A_116, %swap3A_117] : memref<4096x128xf32, #tpu.memory_space<vmem>>, vector<4096x128xf32>
      tpu.vector_store %arg10[%swap3A_116, %swap3A_117], %broadcast_in_dim3A_115 {strides = array<i32>} : memref<4096x128xf32, #tpu.memory_space<vmem>>, vector<4096x128xf32>,
      %exp23A_119 = math.exp2 %mul3A_110 : vector<4096x1xf32>
      %swap3A_120 = arith.constant 0 : index
      %swap3A_121 = arith.constant 0 : index
      %swap3A_122 = vector.load %arg10[%swap3A_120, %swap3A_121] : memref<4096x128xf32, #tpu.memory_space<vmem>>, vector<4096x1xf32>
      tpu.vector_store %arg10[%swap3A_120, %swap3A_121], %exp23A_119 {strides = array<i32>} : memref<4096x128xf32, #tpu.memory_space<vmem>>, vector<4096x1xf32>,
    } else {
    }
    %get3A_4 = arith.constant 0 : index
    %get3A_5 = arith.constant 0 : index
    %get3A_6 = vector.load %arg4[%get3A_4, %get3A_5] : memref<2048x256xf32, #tpu.memory_space<vmem>>, vector<2048x256xf32>
    %mul3A = arith.mulf %get3A_6, %get3A_6 : vector<2048x256xf32>
    %reduce_sum3A = arith.constant dense<0.000000e+00> : vector<2048xf32>
    %reduce_sum3A_7 = vector.multi_reduction <add>, %mul3A, %reduce_sum3A [1] : vector<2048x256xf32> to vector<2048xf32>
    %broadcast_in_dim3A = vector.shape_cast %reduce_sum3A_7 : vector<2048xf32> to vector<2048x1xf32>
    %gt3A = arith.constant 1.000000e-16 : f32
    %gt3A_8 = vector.broadcast %gt3A : f32 to vector<2048x1xf32>
    %gt3A_9 = arith.cmpf ogt, %broadcast_in_dim3A, %gt3A_8 : vector<2048x1xf32>
    %rsqrt3A = math.rsqrt %broadcast_in_dim3A : vector<2048x1xf32>
    %jit3A = arith.constant 1.000000e+08 : f32
    %broadcast_in_dim3A_10 = vector.broadcast %jit3A : f32 to vector<2048x1xf32>
    %select_n3A = arith.select %gt3A_9, %rsqrt3A, %broadcast_in_dim3A_10 : vector<2048x1xi1>, vector<2048x1xf32>
    %mul3A_11 = vector.broadcast %select_n3A : vector<2048x1xf32> to vector<2048x256xf32>
    %mul3A_12 = arith.mulf %get3A_6, %mul3A_11 : vector<2048x256xf32>
    %get3A_13 = arith.constant 0 : index
    %get3A_14 = arith.constant 0 : index
    %get3A_15 = vector.load %arg8[%get3A_13, %get3A_14] : memref<4096x256xbf16, #tpu.memory_space<vmem>>, vector<4096x256xbf16>
    %convert_element_type3A_16 = arith.truncf %mul3A_12 : vector<2048x256xf32> to vector<2048x256xbf16>
    %dot_general3A = arith.constant dense<0.000000e+00> : vector<4096x2048xf32>
    %dot_general3A_17 = tpu.matmul %get3A_15, %convert_element_type3A_16, %dot_general3A {dimension_numbers = #tpu.dot_dimension_numbers<[1], [1], [0], [0], [0, 0, 1, 0], [], []>, transpose_lhs_hint = false} : vector<4096x256xbf16>, vector<2048x256xbf16>, vector<4096x2048xf32> -> vector<4096x2048xf32>
    %convert_element_type3A_18 = arith.truncf %dot_general3A_17 : vector<4096x2048xf32> to vector<4096x2048xbf16>
    %exp23A = math.exp2 %convert_element_type3A_18 : vector<4096x2048xbf16>
    %slice3A = vector.extract_strided_slice %exp23A {offsets = [0, 0], sizes = [4096, 128], strides = [1, 1]} : vector<4096x2048xbf16> to vector<4096x128xbf16>
    %add3A = arith.constant 0.000000e+00 : bf16
    %add3A_19 = vector.broadcast %add3A : bf16 to vector<4096x128xbf16>
    %add3A_20 = arith.addf %add3A_19, %slice3A : vector<4096x128xbf16>
    %slice3A_21 = vector.extract_strided_slice %exp23A {offsets = [0, 128], sizes = [4096, 128], strides = [1, 1]} : vector<4096x2048xbf16> to vector<4096x128xbf16>
    %add3A_22 = arith.addf %add3A_20, %slice3A_21 : vector<4096x128xbf16>
    %slice3A_23 = vector.extract_strided_slice %exp23A {offsets = [0, 256], sizes = [4096, 128], strides = [1, 1]} : vector<4096x2048xbf16> to vector<4096x128xbf16>
    %add3A_24 = arith.addf %add3A_22, %slice3A_23 : vector<4096x128xbf16>
    %slice3A_25 = vector.extract_strided_slice %exp23A {offsets = [0, 384], sizes = [4096, 128], strides = [1, 1]} : vector<4096x2048xbf16> to vector<4096x128xbf16>
    %add3A_26 = arith.addf %add3A_24, %slice3A_25 : vector<4096x128xbf16>
    %slice3A_27 = vector.extract_strided_slice %exp23A {offsets = [0, 512], sizes = [4096, 128], strides = [1, 1]} : vector<4096x2048xbf16> to vector<4096x128xbf16>
    %add3A_28 = arith.addf %add3A_26, %slice3A_27 : vector<4096x128xbf16>
    %slice3A_29 = vector.extract_strided_slice %exp23A {offsets = [0, 640], sizes = [4096, 128], strides = [1, 1]} : vector<4096x2048xbf16> to vector<4096x128xbf16>
    %add3A_30 = arith.addf %add3A_28, %slice3A_29 : vector<4096x128xbf16>
    %slice3A_31 = vector.extract_strided_slice %exp23A {offsets = [0, 768], sizes = [4096, 128], strides = [1, 1]} : vector<4096x2048xbf16> to vector<4096x128xbf16>
    %add3A_32 = arith.addf %add3A_30, %slice3A_31 : vector<4096x128xbf16>
    %slice3A_33 = vector.extract_strided_slice %exp23A {offsets = [0, 896], sizes = [4096, 128], strides = [1, 1]} : vector<4096x2048xbf16> to vector<4096x128xbf16>
    %add3A_34 = arith.addf %add3A_32, %slice3A_33 : vector<4096x128xbf16>
    %slice3A_35 = vector.extract_strided_slice %exp23A {offsets = [0, 1024], sizes = [4096, 128], strides = [1, 1]} : vector<4096x2048xbf16> to vector<4096x128xbf16>
    %add3A_36 = arith.addf %add3A_34, %slice3A_35 : vector<4096x128xbf16>
    %slice3A_37 = vector.extract_strided_slice %exp23A {offsets = [0, 1152], sizes = [4096, 128], strides = [1, 1]} : vector<4096x2048xbf16> to vector<4096x128xbf16>
    %add3A_38 = arith.addf %add3A_36, %slice3A_37 : vector<4096x128xbf16>
    %slice3A_39 = vector.extract_strided_slice %exp23A {offsets = [0, 1280], sizes = [4096, 128], strides = [1, 1]} : vector<4096x2048xbf16> to vector<4096x128xbf16>
    %add3A_40 = arith.addf %add3A_38, %slice3A_39 : vector<4096x128xbf16>
    %slice3A_41 = vector.extract_strided_slice %exp23A {offsets = [0, 1408], sizes = [4096, 128], strides = [1, 1]} : vector<4096x2048xbf16> to vector<4096x128xbf16>
    %add3A_42 = arith.addf %add3A_40, %slice3A_41 : vector<4096x128xbf16>
    %slice3A_43 = vector.extract_strided_slice %exp23A {offsets = [0, 1536], sizes = [4096, 128], strides = [1, 1]} : vector<4096x2048xbf16> to vector<4096x128xbf16>
    %add3A_44 = arith.addf %add3A_42, %slice3A_43 : vector<4096x128xbf16>
    %slice3A_45 = vector.extract_strided_slice %exp23A {offsets = [0, 1664], sizes = [4096, 128], strides = [1, 1]} : vector<4096x2048xbf16> to vector<4096x128xbf16>
    %add3A_46 = arith.addf %add3A_44, %slice3A_45 : vector<4096x128xbf16>
    %slice3A_47 = vector.extract_strided_slice %exp23A {offsets = [0, 1792], sizes = [4096, 128], strides = [1, 1]} : vector<4096x2048xbf16> to vector<4096x128xbf16>
    %add3A_48 = arith.addf %add3A_46, %slice3A_47 : vector<4096x128xbf16>
    %slice3A_49 = vector.extract_strided_slice %exp23A {offsets = [0, 1920], sizes = [4096, 128], strides = [1, 1]} : vector<4096x2048xbf16> to vector<4096x128xbf16>
    %add3A_50 = arith.addf %add3A_48, %slice3A_49 : vector<4096x128xbf16>
    %get3A_51 = arith.constant 0 : index
    %get3A_52 = arith.constant 0 : index
    %get3A_53 = vector.load %arg10[%get3A_51, %get3A_52] : memref<4096x128xf32, #tpu.memory_space<vmem>>, vector<4096x128xf32>
    %convert_element_type3A_54 = arith.extf %add3A_50 : vector<4096x128xbf16> to vector<4096x128xf32>
    %add3A_55 = arith.addf %get3A_53, %convert_element_type3A_54 : vector<4096x128xf32>
    %swap3A = arith.constant 0 : index
    %swap3A_56 = arith.constant 0 : index
    %swap3A_57 = vector.load %arg10[%swap3A, %swap3A_56] : memref<4096x128xf32, #tpu.memory_space<vmem>>, vector<4096x128xf32>
    tpu.vector_store %arg10[%swap3A, %swap3A_56], %add3A_55 {strides = array<i32>} : memref<4096x128xf32, #tpu.memory_space<vmem>>, vector<4096x128xf32>,
    %eq3A_58 = arith.constant 1 : i32
    %eq3A_59 = arith.cmpi eq, %arg0, %eq3A_58 : i32
    %convert_element_type3A_60 = arith.extui %eq3A_59 : i1 to i32
    %cond3A_61 = arith.constant 0 : i32
    %cond3A_62 = arith.cmpi ne, %convert_element_type3A_60, %cond3A_61 : i32
    scf.if %cond3A_62 {
      %get3A_63 = arith.constant 0 : index
      %get3A_64 = arith.constant 0 : index
      %get3A_65 = vector.load %arg10[%get3A_63, %get3A_64] : memref<4096x128xf32, #tpu.memory_space<vmem>>, vector<4096x128xf32>
      %reduce_sum3A_66 = arith.constant dense<0.000000e+00> : vector<4096xf32>
      %reduce_sum3A_67 = vector.multi_reduction <add>, %get3A_65, %reduce_sum3A_66 [1] : vector<4096x128xf32> to vector<4096xf32>
      %broadcast_in_dim3A_68 = vector.shape_cast %reduce_sum3A_67 : vector<4096xf32> to vector<4096x1xf32>
      %log3A = math.log %broadcast_in_dim3A_68 : vector<4096x1xf32>
      %log3A_69 = arith.constant 2.000000e+00 : f32
      %log3A_70 = math.log %log3A_69 : f32
      %div3A_71 = vector.broadcast %log3A_70 : f32 to vector<4096x1xf32>
      %div3A_72 = arith.divf %log3A, %div3A_71 : vector<4096x1xf32>
      %get3A_73 = arith.constant 0 : index
      %get3A_74 = arith.constant 0 : index
      %get3A_75 = vector.load %arg9[%get3A_73, %get3A_74] : memref<4096x1xf32, #tpu.memory_space<vmem>>, vector<4096x1xf32>
      %sub3A = arith.subf %div3A_72, %get3A_75 : vector<4096x1xf32>
      %div3A_76 = arith.constant 1.44269502 : f32
      %div3A_77 = vector.broadcast %div3A_76 : f32 to vector<4096x1xf32>
      %div3A_78 = arith.divf %sub3A, %div3A_77 : vector<4096x1xf32>
      %reduce_sum3A_79 = vector.shape_cast %div3A_78 : vector<4096x1xf32> to vector<1x4096x1xf32>
      %reduce_sum3A_80 = arith.constant dense<0.000000e+00> : vector<1xf32>
      %reduce_sum3A_81 = vector.multi_reduction <add>, %reduce_sum3A_79, %reduce_sum3A_80 [1, 2] : vector<1x4096x1xf32> to vector<1xf32>
      %reduce_sum3A_82 = vector.shape_cast %reduce_sum3A_81 : vector<1xf32> to vector<1x1x1xf32>
      %reduce_sum3A_83 = vector.extract %reduce_sum3A_82[0, 0, 0] : f32 from vector<1x1x1xf32>
      %div3A_84 = arith.constant 4.096000e+03 : f32
      %div3A_85 = arith.divf %reduce_sum3A_83, %div3A_84 : f32
      %get3A_86 = arith.constant 0 : index
      %get3A_87 = arith.constant 0 : index
      %get3A_88 = vector.load %arg5[%get3A_86, %get3A_87] : memref<80x125xf32, #tpu.memory_space<vmem>>, vector<80x125xf32>
      %get3A_89 = arith.constant 0 : index
      %get3A_90 = arith.constant 0 : index
      %get3A_91 = vector.load %arg6[%get3A_89, %get3A_90] : memref<80x125xf32, #tpu.memory_space<vmem>>, vector<80x125xf32>
      %neg3A = arith.constant 0.000000e+00 : f32
      %neg3A_92 = vector.broadcast %neg3A : f32 to vector<80x125xf32>
      %neg3A_93 = arith.subf %neg3A_92, %get3A_88 : vector<80x125xf32>
      %max3A = arith.constant 0.000000e+00 : f32
      %max3A_94 = vector.broadcast %max3A : f32 to vector<80x125xf32>
      %max3A_95 = arith.maximumf %neg3A_93, %max3A_94 : vector<80x125xf32>
      %abs3A = math.absf %get3A_88 : vector<80x125xf32>
      %neg3A_96 = arith.constant 0.000000e+00 : f32
      %neg3A_97 = vector.broadcast %neg3A_96 : f32 to vector<80x125xf32>
      %neg3A_98 = arith.subf %neg3A_97, %abs3A : vector<80x125xf32>
      %exp3A = math.exp %neg3A_98 : vector<80x125xf32>
      %log1p3A = math.log1p %exp3A : vector<80x125xf32>
      %add3A_99 = arith.addf %max3A_95, %log1p3A : vector<80x125xf32>
      %sub3A_100 = arith.constant 1.000000e+00 : f32
      %sub3A_101 = vector.broadcast %sub3A_100 : f32 to vector<80x125xf32>
      %sub3A_102 = arith.subf %sub3A_101, %get3A_91 : vector<80x125xf32>
      %mul3A_103 = arith.mulf %sub3A_102, %get3A_88 : vector<80x125xf32>
      %add3A_104 = arith.addf %add3A_99, %mul3A_103 : vector<80x125xf32>
      %reduce_sum3A_105 = vector.shape_cast %add3A_104 : vector<80x125xf32> to vector<1x80x125xf32>
      %reduce_sum3A_106 = arith.constant dense<0.000000e+00> : vector<1xf32>
      %reduce_sum3A_107 = vector.multi_reduction <add>, %reduce_sum3A_105, %reduce_sum3A_106 [1, 2] : vector<1x80x125xf32> to vector<1xf32>
      %reduce_sum3A_108 = vector.shape_cast %reduce_sum3A_107 : vector<1xf32> to vector<1x1x1xf32>
      %reduce_sum3A_109 = vector.extract %reduce_sum3A_108[0, 0, 0] : f32 from vector<1x1x1xf32>
      %div3A_110 = arith.constant 1.000000e+04 : f32
      %div3A_111 = arith.divf %reduce_sum3A_109, %div3A_110 : f32
      %mul3A_112 = arith.constant 5.000000e-01 : f32
      %mul3A_113 = arith.mulf %mul3A_112, %div3A_111 : f32
      %add3A_114 = arith.addf %mul3A_113, %div3A_85 : f32
      %swap3A_115 = arith.constant 0 : index
      %swap3A_116 = arith.constant 0 : index
      %swap3A_117 = memref.load %arg7[%swap3A_115, %swap3A_116] : memref<1x1xf32, #tpu.memory_space<smem>>
      memref.store %add3A_114, %arg7[%swap3A_115, %swap3A_116] : memref<1x1xf32, #tpu.memory_space<smem>>
    } else {
    }
    return
  }
  func.func @transform_0(%arg0: i32) -> i32 {
    %c0_i32 = arith.constant 0 : i32
    %c0_i32_0 = arith.constant 0 : i32
    return %c0_i32 : i32
  }
  func.func @transform_1(%arg0: i32) -> (i32, i32) {
    %c0_i32 = arith.constant 0 : i32
    %c0_i32_0 = arith.constant 0 : i32
    %c0_i32_1 = arith.constant 0 : i32
    return %c0_i32, %c0_i32_0 : i32, i32
  }
  func.func @transform_2(%arg0: i32) -> (i32, i32) {
    %c1_i32 = arith.constant 1 : i32
    %c0_i32 = arith.constant 0 : i32
    %c0_i32_0 = arith.constant 0 : i32
    return %c1_i32, %c0_i32 : i32, i32
  }
  func.func @transform_3(%arg0: i32) -> (i32, i32) {
    %add3A = arith.constant 4 : i32
    %add3A_0 = arith.addi %add3A, %arg0 : i32
    %c0_i32 = arith.constant 0 : i32
    %c0_i32_1 = arith.constant 0 : i32
    return %add3A_0, %c0_i32 : i32, i32
  }
  func.func @transform_4(%arg0: i32) -> (i32, i32) {
    %c0_i32 = arith.constant 0 : i32
    %c0_i32_0 = arith.constant 0 : i32
    %c0_i32_1 = arith.constant 0 : i32
    return %c0_i32, %c0_i32_0 : i32, i32
  }
  func.func @transform_5(%arg0: i32) -> (i32, i32) {
    %c0_i32 = arith.constant 0 : i32
    %c0_i32_0 = arith.constant 0 : i32
    %c0_i32_1 = arith.constant 0 : i32
    return %c0_i32, %c0_i32_0 : i32, i32
  }
  func.func @transform_6(%arg0: i32) -> (i32, i32) {
    %c0_i32 = arith.constant 0 : i32
    %c0_i32_0 = arith.constant 0 : i32
    %c0_i32_1 = arith.constant 0 : i32
    return %c0_i32, %c0_i32_0 : i32, i32
  }
}

</mosaic_0001>

<sc_bundles>
// kernel: kernel.4.cloned.1.call-start
scs
__scs_entry_jumppad:
0x0: {  	(pc) =	sbr.rel $0x88, $3  }
0x1: {  	(tag) =	ssettag $0x0;
	lr =	simm.s32 $0x1  }
0x2: {  	[smem:$0x3F9B] =	sst lr;
	_ =	strace $0xD0000000  }
0x3: {  	_ = 	snop  }
0x4: {  	_ = 	snop  }
0x5: {  	_ = 	snop  }
0x6: {  	_ = 	snop  }
0x7: {  	_ = 	snop  }
__scs_overlays_trampoline_lowered:
0x8: {  	[smem:$0x3FAA] =	sst s0  }
0x9: {  	[smem:$0x3FAB] =	sst s1  }
0xa: {  	[smem:$0x3FAC] =	sst s2  }
0xb: {  	[smem:$0x3FAD] =	sst s3  }
0xc: {  	[smem:$0x3FAE] =	sst s4  }
0xd: {  	[smem:$0x3FAF] =	sst s5  }
0xe: {  	[smem:$0x3FB0] =	sst s6  }
0xf: {  	[smem:$0x3FB1] =	sst s7  }
0x10: {  	[smem:$0x3FB2] =	sst s8  }
0x11: {  	[smem:$0x3FB3] =	sst s9;
	s0 =	simm.s32 @!p0 $0x0  }
0x12: {  	s1 =	sld [smem:$0x3F99];
	s0 =	simm.s32 @p0 $0x1  }
0x13: {  	[smem:$0x3FB4] =	sst s0;
	s0 =	simm.s32 @!p1 $0x0  }
0x14: {  	s2 =	sld [smem:$0x3F98];
	s0 =	simm.s32 @p1 $0x1  }
0x15: {  	[smem:$0x3FB5] =	sst s0;
	s0 =	simm.s32 @!p2 $0x0  }
0x16: {  	s3 =	sld [smem:$0x3FDB];
	s0 =	simm.s32 @p2 $0x1  }
0x17: {  	s4 =	simm.s32 $0x1BF5;
	[smem:$0x3FB7] =	sst s0  }
0x18: {  	s0 =	sld [smem:$0x3F9A];
	_ =	swait.ge [sflag:s4], $0x0  }
0x19: {  	s7 =	sld [smem:$0x3F9B]  }
0x1a: {  	s8 =	sadd.s32 $0xFFFFE003, lr  }
0x1b: {  	s9 =	sadd.s32 $0xFFFFFEF7, lr;
	s5 =	simm.s32 $0xFFFFFFFF;
	p2 =	slt.u32 s8, $0xFFFFF086  }
0x1c: {  	p1 =	slt.u32 s9, $0xF7A;
	s5 =	simm.s32 @!p2 $0x0  }
0x1d: {  	s5 =	simm.s32 @p1 $0x1;
	p0 =	seq.s32 s7, s2  }
0x1e: {  	s7 =	smul.u32 @!p0 $0xF7A, s2;
	p2 =	seq.s32 @!p0 s5, $0x0  }
0x1f: {  	s9 =	smul.u32 $0xF7A, s1;
	s8 =	simm.s32 @!p0 $0x1BF5;
	p2 =	por !p2, p0  }
0x20: {  	[sflag:s8] =	ssyncset.s32 @!p0 $0xFFFFF086;
	s6 =	sadd.s32 @!p0 s3, s7;
	s7 =	simm.s32 @!p0 $0x108  }
0x21: {  	s3 =	sadd.s32 s3, s9;
	s6 =	sadd.s32 @!p0 $0x88, s6;
	s7 =	simm.s32 @p2 $0x1082  }
0x22: {  	[simem:s7], [sflag:s8] =	dma.local @!p0 [hbm:s6], $0xF7A  }
0x23: {  	s9 =	sor.u32 $0xD0000000, s2;
	s6 =	simm.s32 $0x108;
	_ =	swait.ge @!p0 [sflag:s8], $0x0  }
0x24: {  	s3 =	sadd.s32 $0x88, s3;
	s6 =	simm.s32 @!p1 $0x1082;
	[sflag:s4] =	ssyncset.s32 $0xFFFFF086  }
0x25: {  	[simem:s6], [sflag:s4] =	dma.local [hbm:s3], $0xF7A  }
0x26: {  	[smem:$0x3F9B] =	sst s1;
	(tag) =	ssettag s2;
	_ =	strace s9  }
0x27: {  	s1 =	sld [smem:$0x3FAB]  }
0x28: {  	s2 =	sld [smem:$0x3FAC]  }
0x29: {  	s4 =	sld [smem:$0x3FAE]  }
0x2a: {  	p0 =	seq.s32 s5, $0x0;
	s5 =	sld [smem:$0x3FAF]  }
0x2b: {  	s6 =	sld [smem:$0x3FB0]  }
0x2c: {  	s7 =	sld [smem:$0x3FB1]  }
0x2d: {  	s3 =	simm.s32 $0x108;
	s8 =	sld [smem:$0x3FB2]  }
0x2e: {  	s3 =	simm.s32 @!p0 $0x1082;
	s9 =	sld [smem:$0x3FB3]  }
0x2f: {  	lr =	sadd.s32 s0, s3;
	s0 =	sld [smem:$0x3FAA]  }
0x30: {  	s3 =	sld [smem:$0x3FAD]  }
0x31: {  	[smem:$0x3FB6] =	sst s10  }
0x32: {  	s10 =	sld [smem:$0x3FB4];
	_ =	sdelay $0x3  }
0x33: {  	p0 =	seq.s32 s10, $0x1;
	s10 =	sld [smem:$0x3FB6];
	_ =	sdelay $0x3  }
0x34: {  	[smem:$0x3FB6] =	sst s10  }
0x35: {  	s10 =	sld [smem:$0x3FB5];
	_ =	sdelay $0x3  }
0x36: {  	p1 =	seq.s32 s10, $0x1;
	s10 =	sld [smem:$0x3FB6];
	_ =	sdelay $0x3  }
0x37: {  	[smem:$0x3FB6] =	sst s10  }
0x38: {  	s10 =	sld [smem:$0x3FB7]  }
0x39: {  	_ = 	snop;
	(pc) =	sbr.ind lr, $3  }
0x3a: {  	_ = 	snop  }
0x3b: {  	_ = 	snop  }
0x3c: {  	p2 =	seq.s32 s10, $0x1;
	s10 =	sld [smem:$0x3FB6]  }
0x3d: {  	_ =	shalt  }
0x3e: {  	_ =	shalt  }
0x3f: {  	_ =	shalt  }
0x40: {  	_ =	shalt  }
0x41: {  	_ =	shalt  }
0x42: {  	_ =	shalt  }
0x43: {  	_ =	shalt  }
0x44: {  	_ =	shalt  }
0x45: {  	_ =	shalt  }
0x46: {  	_ =	shalt  }
0x47: {  	_ =	shalt  }
0x48: {  	_ =	shalt  }
0x49: {  	_ =	shalt  }
0x4a: {  	_ =	shalt  }
0x4b: {  	_ =	shalt  }
0x4c: {  	_ =	shalt  }
0x4d: {  	_ =	shalt  }
0x4e: {  	_ =	shalt  }
0x4f: {  	_ =	shalt  }
0x50: {  	_ =	shalt  }
0x51: {  	_ =	shalt  }
0x52: {  	_ =	shalt  }
0x53: {  	_ =	shalt  }
0x54: {  	_ =	shalt  }
0x55: {  	_ =	shalt  }
0x56: {  	_ =	shalt  }
0x57: {  	_ =	shalt  }
0x58: {  	_ =	shalt  }
0x59: {  	_ =	shalt  }
0x5a: {  	_ =	shalt  }
0x5b: {  	_ =	shalt  }
0x5c: {  	_ =	shalt  }
0x5d: {  	_ =	shalt  }
0x5e: {  	_ =	shalt  }
0x5f: {  	_ =	shalt  }
0x60: {  	_ =	shalt  }
0x61: {  	_ =	shalt  }
0x62: {  	_ =	shalt  }
0x63: {  	_ =	shalt  }
0x64: {  	_ =	shalt  }
0x65: {  	_ =	shalt  }
0x66: {  	_ =	shalt  }
0x67: {  	_ =	shalt  }
0x68: {  	_ =	shalt  }
0x69: {  	_ =	shalt  }
0x6a: {  	_ =	shalt  }
0x6b: {  	_ =	shalt  }
0x6c: {  	_ =	shalt  }
0x6d: {  	_ =	shalt  }
0x6e: {  	_ =	shalt  }
0x6f: {  	_ =	shalt  }
0x70: {  	_ =	shalt  }
0x71: {  	_ =	shalt  }
0x72: {  	_ =	shalt  }
0x73: {  	_ =	shalt  }
0x74: {  	_ =	shalt  }
0x75: {  	_ =	shalt  }
0x76: {  	_ =	shalt  }
0x77: {  	_ =	shalt  }
0x78: {  	_ =	shalt  }
0x79: {  	_ =	shalt  }
0x7a: {  	_ =	shalt  }
0x7b: {  	_ =	shalt  }
0x7c: {  	_ =	shalt  }
0x7d: {  	_ =	shalt  }
0x7e: {  	_ =	shalt  }
0x7f: {  	_ =	shalt  }
0x80: {  	_ =	shalt  }
0x81: {  	_ =	shalt  }
0x82: {  	_ =	shalt  }
0x83: {  	_ =	shalt  }
0x84: {  	_ =	shalt  }
0x85: {  	_ =	shalt  }
0x86: {  	_ =	shalt  }
0x87: {  	_ =	shalt  }
.Lfunc_end0:
.L_simem_size_0:
called_computation_lowered:
.L_overlay_start_0:
0x88: {  	s2 =	sld [smem:$0x3FD9]  }
0x89: {  	s3 =	sld [smem:$0x3FFE];
	_ =	sdelay $0x1  }
0x8a: {  	s1 =	srdreg.scid  }
0x8b: {  	s0 =	sand.u32 $0x1, s1  }
0x8c: {  	s17 =	sshll.u32 s0, $0xA;
	s2 =	sadd.s32 s3, s2  }
0x8d: {  	s2 =	sadd.s32 s2, s17  }
0x8e: {  	[smem:$0x3FC2] =	sst s2  }
0x8f: {  	_ = 	snop  }
0x90: {  	s2 =	sld [smem:$0x3FC7]  }
0x91: {  	s18 =	sld [smem:$0x3FC6]  }
0x92: {  	s4 =	sld [smem:$0x3FC5];
	(tm) =	ssettm $0x1  }
0x93: {  	s5 =	sld [smem:$0x3FFB];
	_ =	sdelay $0x3  }
0x94: {  	_ =	strace s5  }
0x95: {  	s5 =	sld [smem:$0x3FFC];
	_ =	sdelay $0x3  }
0x96: {  	_ =	strace s5  }
0x97: {  	s5 =	sld [smem:$0x3FFD];
	_ =	sdelay $0x3  }
0x98: {  	_ =	strace s5  }
0x99: {  	_ =	strace $0x8FFFFFFF  }
0x9a: {  	s19 =	sld [smem:$0x3FDB];
	_ =	sdelay $0x1  }
0x9b: {  	s6 =	simm.s32 $_scs_section_size  }
0x9c: {  	s7 =	simm.s32 $_size__tile_overlayer_lowered;
	s8 =	simm.s32 $_tile_overlayer_lowered  }
0x9d: {  	s22 =	simm.s32 $0x1BFF;
	s21 =	sshll.u32 s8, $0x1;
	s5 =	sadd.s32 s6, s19  }
0x9e: {  	s9 =	simm.s32 $0x0;
	s20 =	sshll.u32 s7, $0x1;
	s7 =	sadd.s32 s21, s5  }
0x9f: {  	[timem:s9], [sflag:s22] =	dma.local [hbm:s7], s20  }
0xa0: {  	_ =	swait.ge [sflag:s22], s20  }
0xa1: {  	s6 =	ssub.s32 $0x0, s20;
	[sflag:s22] =	ssyncset.done $0x0  }
0xa2: {  	[sflag:s22] =	ssyncadd.s32 s6;
	_ =	sdelay $0x1  }
0xa3: {  	s23 =	simm.s32 $0x1B8B  }
0xa4: {  	_ =	swait.ge [sflag:s23], $0x1  }
0xa5: {  	[sflag:s23] =	ssyncset.done $0x0  }
0xa6: {  	s25 =	simm.s32 $0x1B8E;
	s24 =	sld [smem:$0x3FFE];
	[sflag:s23] =	ssyncadd.s32 $0xFFFFFFFF  }
0xa7: {  	s26 =	simm.s32 $execute0_lowered;
	[smem:$0x3FD2] =	sst s25  }
0xa8: {  	s7 =	sshll.u32 s26, $0x1;
	_ =	strace $0x80000046;
	[dreg:$0x1] =	wrdreg $0xFFFFFFFF  }
0xa9: {  	s28 =	simm.s32 $_size_execute0_lowered;
	s5 =	sadd.s32 s5, s7;
	[dreg:$0x0] =	wrdreg $0x0  }
0xaa: {  	s7 =	sshll.u32 s28, $0x1;
	[dreg:$0x2] =	wrdreg s5  }
0xab: {  	[dreg:$0x3] =	wrdreg s7  }
0xac: {  	[dreg:$0x4] =	wrdreg $0xC0  }
0xad: {  	_ =	task [dreg:s9], $0x5FFFF  }
0xae: {  	[dreg:$0x1] =	wrdreg $0xFFFFFFFF  }
0xaf: {  	[dreg:$0x0] =	wrdreg $0x60  }
0xb0: {  	[dreg:$0x2] =	wrdreg s2  }
0xb1: {  	[dreg:$0x3] =	wrdreg s18  }
0xb2: {  	[dreg:$0x4] =	wrdreg s4  }
0xb3: {  	[dreg:$0x5] =	wrdreg s24  }
0xb4: {  	[dreg:$0x6] =	wrdreg $0x9  }
0xb5: {  	_ =	task.clear_ibuf [dreg:s9], $0x7FFFF;
	_ =	strace $0x90000046  }
0xb6: {  	s29 =	simm.s32 $0x9;
	_ =	strace $0x80000048  }
0xb7: {  	_ =	swait.ge [sflag:s29], $0x1  }
0xb8: {  	[sflag:s29] =	ssyncadd.s32 $0xFFFFFFFF  }
0xb9: {  	_ =	strace $0x90000048  }
0xba: {  	_ =	sfence  }
0xbb: {  	s30 =	sld [smem:$0x0];
	_ =	sdelay $0x2  }
0xbc: {  	s31 =	sshll.u32 s1, $0xD;
	s1 =	sshrl.u32 s1, $0x2  }
0xbd: {  	s3 =	sand.u32 $0x4000, s31;
	s1 =	sadd.s32 s1, s30  }
0xbe: {  	s0 =	sor.u32 s3, s0;
	s1 =	sshll.u32 s1, $0x11  }
0xbf: {  	s0 =	sor.u32 s1, s0  }
0xc0: {  	s0 =	sadd.s32 $0x8F2B, s0  }
0xc1: {  	[sflag:s0] =	ssyncadd.remote.s32 $0x1  }
0xc2: {  	_ =	sfence.sel $0xFFFF  }
0xc3: {  	[dreg:$0x0] =	wrdreg $0xFFFFFFFF;
	(pc) =	sbr.abs _section_cstart, $3  }
0xc4: {  	[dreg:$0x1] =	wrdreg $0xFFFFFFFF  }
0xc5: {  	_ =	task.clear_ibuf [dreg:s9], $0x2FFFF;
	_ =	strace $0x9FFFFFFF  }
0xc6: {  	(tm) =	ssettm $0x7FFFFFFF  }
0xc7: {  	_ =	shalt  }
tec
execute0_lowered:
.L_overlay_start_1:
0x0: {  	(tag) =	ssettag $0x1  }
0x1: {  	s1 =	rddreg [dreg:$0x0]  }
0x2: {  	s4 =	rddreg [dreg:$0x1]  }
0x3: {  	s5 =	rddreg [dreg:$0x2]  }
0x4: {  	s6 =	rddreg [dreg:$0x3];
	s3 =	simm.s32 $0x0  }
0x5: {  	s23 =	simm.s32 $0x80;
	[smem:$0x7FF] =	sst s3  }
0x6: {  	s24 =	simm.s32 $0x100;
	_ =	strace $0x80000047;
	[dreg:$0xb] =	wrdreg s23  }
0x7: {  	s25 =	simm.s32 $0xA00;
	[dreg:$0xc] =	wrdreg s24  }
0x8: {  	s0 =	stileid.u32;
	s26 =	simm.s32 $0x1200;
	[dreg:$0xd] =	wrdreg s25  }
0x9: {  	s7 =	sshll.u32 s0, $0x8;
	s0 =	simm.s32 $0x1A00;
	[dreg:$0xe] =	wrdreg s26  }
0xa: {  	s10 =	simm.s32 $0x4A00;
	[dreg:$0xf] =	wrdreg s0  }
0xb: {  	s11 =	simm.s32 $0x5200;
	[dreg:$0x15] =	wrdreg s10  }
0xc: {  	s12 =	simm.s32 $0x5A00;
	[dreg:$0x16] =	wrdreg s11  }
0xd: {  	s2 =	srdreg.scid;
	s13 =	simm.s32 $0x6200;
	[dreg:$0x17] =	wrdreg s12  }
0xe: {  	s14 =	simm.s32 $0x6A00;
	s15 =	simm.s32 $0x7200;
	[dreg:$0x18] =	wrdreg s13  }
0xf: {  	s16 =	simm.s32 $0x7A00;
	s17 =	simm.s32 $0x8A00;
	[dreg:$0x19] =	wrdreg s14  }
0x10: {  	s18 =	simm.s32 $0x9200;
	s28 =	simm.s32 $0x16A00;
	[dreg:$0x1a] =	wrdreg s15  }
0x11: {  	s29 =	simm.s32 $0x17200;
	s30 =	simm.s32 $0x17A00;
	[dreg:$0x1b] =	wrdreg s16  }
0x12: {  	s31 =	simm.s32 $0x1;
	s2 =	sand.u32 $0x1, s2;
	[dreg:$0x1c] =	wrdreg s17  }
0x13: {  	s8 =	sshll.u32 s2, $0x7;
	[dreg:$0x1d] =	wrdreg s18;
	s2 =	ssub.s32 $0x2, s2  }
0x14: {  	s23 =	simm.s32 $0xB200;
	s24 =	simm.s32 $0xBA00;
	s25 =	simm.s32 $0xC200  }
0x15: {  	s26 =	simm.s32 $0xCA00;
	s10 =	simm.s32 $0xE200;
	[smem:$0x7FA] =	sst s23  }
0x16: {  	s11 =	simm.s32 $0xEA00;
	s12 =	simm.s32 $0xF200;
	[smem:$0x7FB] =	sst s24  }
0x17: {  	s13 =	simm.s32 $0xFA00;
	s7 =	sor.u32 s8, s7;
	[smem:$0x7FC] =	sst s25  }
0x18: {  	s14 =	simm.s32 $0x10200;
	[smem:$0x7FD] =	sst s26;
	s8 =	sshrl.u32 s7, $0x2  }
0x19: {  	s7 =	sshll.u32 s7, $0x5;
	s9 =	sadd.s32 s4, s8;
	s8 =	sor.u32 $0x10, s8  }
0x1a: {  	s6 =	sadd.s32 s7, s6;
	s7 =	simm.s32 $0x3200;
	[dreg:$0x5] =	wrdreg s9  }
0x1b: {  	s15 =	simm.s32 $0x10A00;
	s4 =	sadd.s32 s4, s8;
	[dreg:$0x12] =	wrdreg s7  }
0x1c: {  	s16 =	simm.s32 $0x11200;
	s19 =	sadd.s32 s5, s8;
	[dreg:$0x6] =	wrdreg s4  }
0x1d: {  	s17 =	simm.s32 $0x11A00;
	s20 =	sadd.s32 $0xA00, s6;
	[dreg:$0x7] =	wrdreg s19  }
0x1e: {  	s18 =	simm.s32 $0x12200;
	s21 =	sadd.s32 $0x20A00, s6;
	[dreg:$0x8] =	wrdreg s20  }
0x1f: {  	s23 =	simm.s32 $0x14A00;
	s22 =	sadd.s32 $0x40A00, s6;
	[dreg:$0x9] =	wrdreg s21  }
0x20: {  	s24 =	simm.s32 $0x15200;
	s5 =	simm.s32 $0x2200;
	[dreg:$0xa] =	wrdreg s22  }
0x21: {  	s25 =	simm.s32 $0x15A00;
	s6 =	simm.s32 $0x2A00;
	[dreg:$0x10] =	wrdreg s5  }
0x22: {  	s26 =	simm.s32 $0x16200;
	s8 =	simm.s32 $0x3A00;
	[dreg:$0x11] =	wrdreg s6  }
0x23: {  	s9 =	simm.s32 $0x4200;
	s7 =	simm.s32 $0x8200;
	[dreg:$0x13] =	wrdreg s8  }
0x24: {  	[dreg:$0x14] =	wrdreg s9;
	s19 =	simm.s32 $0x9A00;
	s20 =	simm.s32 $0xA200  }
0x25: {  	s21 =	simm.s32 $0xAA00;
	s22 =	sshrl.u32 s2, $0x1;
	[dreg:$0x1e] =	wrdreg s19  }
0x26: {  	s5 =	simm.s32 $0x3;
	s6 =	simm.s32 $0x200;
	[dreg:$0x1f] =	wrdreg s20  }
0x27: {  	v2 =	vlaneseq.u32;
	s9 =	simm.s32 $0xDA00;
	[smem:$0x7F9] =	sst s21;
	s2 =	ssub.s32 s2, s22  }
0x28: {  	vm0 =	vmmov $0xffff;
	v1 =	vshrl.u32 v2, $0x3;
	s19 =	simm.s32 $0x12A00;
	s20 =	simm.s32 $0x13200;
	s21 =	simm.s32 $0x13A00  }
0x29: {  	v0 =	vand.u32 $0x7, v2;
	v2 =	vor.u32 $0x8, v2;
	v1 =	vmul.u32 $0x8, v1;
	s22 =	simm.s32 $0x14200;
	s4 =	smax.u32 s2, $0x1;
	s2 =	simm.s32 $0x2  }
.LBB2_1:
0x2a: {  	s0 =	rddreg [dreg:$0x5]  }
0x2b: {  	[tilespmem:s3], [sflag:$0x3] =	stream.linear.gather [hbm4b:s0+s3], $0x80, $0x38;
	[tilespmem:$0x18200] =	vst v63  }
0x2c: {  	_ =	swait.ge [sflag:s5], $0x80  }
0x2d: {  	s0 =	rddreg [dreg:$0x6];
	[sflag:s5] =	ssyncset.done $0x0  }
0x2e: {  	s8 =	rddreg [dreg:$0xb];
	[sflag:s5] =	ssyncadd.s32 $0xFFFFFF80  }
0x2f: {  	[tilespmem:s8], [sflag:$0x3] =	stream.linear.gather [hbm4b:s0+s3], $0x80, $0x38;
	[tilespmem:$0x18200] =	vst v63  }
0x30: {  	_ =	swait.ge [sflag:s5], $0x80  }
0x31: {  	s0 =	rddreg [dreg:$0x7];
	[sflag:s5] =	ssyncset.done $0x0  }
0x32: {  	s8 =	rddreg [dreg:$0xc];
	[sflag:s5] =	ssyncadd.s32 $0xFFFFFF80  }
0x33: {  	[tilespmem:s8], [sflag:$0x3] =	stream.linear.gather [hbm4b:s0+s3], $0x80, $0x38;
	[tilespmem:$0x18200] =	vst v63  }
0x34: {  	_ =	swait.ge [sflag:s5], $0x80  }
0x35: {  	[sflag:s5] =	ssyncset.done $0x0  }
0x36: {  	[sflag:s5] =	ssyncadd.s32 $0xFFFFFF80  }
0x37: {  	v3 =	vld [tilespmem:$0x0];
	_ =	sdelay $0x4  }
0x38: {  	v4 =	vshll.u32 v3, $0x1  }
0x39: {  	v3 =	vand.u32 $0x7, v3;
	v4 =	vand.u32 $0xFFFFFFF0, v4  }
0x3a: {  	v3 =	vor.u32 v3, v4  }
0x3b: {  	v4 =	vperm.xlane v3, v0;
	_ =	sdelay $0x1  }
0x3c: {  	v3 =	vperm.xlane v3, v2;
	v4 =	vadd.s32 v1, v4;
	_ =	sdelay $0x1  }
0x3d: {  	v3 =	vadd.s32 v1, v3;
	_ =	sdelay $0x2  }
0x3e: {  	[tilespmem:s6], [sflag:$0x1] =	stream.indirect_vreg.gather [hbm4b:s1+s3], $0x80, v4, vm0, $0xb8;
	[tilespmem:$0x18200] =	vst v63  }
0x3f: {  	s8 =	rddreg [dreg:$0xd]  }
0x40: {  	[tilespmem:s8], [sflag:$0x1] =	stream.indirect_vreg.gather [hbm4b:s1+s3], $0x80, v3, vm0, $0xb8;
	[tilespmem:$0x18200] =	vst v63  }
0x41: {  	v3 =	vld [tilespmem:$0x10];
	_ =	sdelay $0x4  }
0x42: {  	v41 =	vshll.u32 v3, $0x1  }
0x43: {  	v3 =	vand.u32 $0x7, v3;
	v4 =	vand.u32 $0xFFFFFFF0, v41  }
0x44: {  	v3 =	vor.u32 v3, v4  }
0x45: {  	v4 =	vperm.xlane v3, v0;
	_ =	sdelay $0x1  }
0x46: {  	v3 =	vperm.xlane v3, v2;
	v4 =	vadd.s32 v1, v4;
	_ =	sdelay $0x1  }
0x47: {  	v3 =	vadd.s32 v1, v3;
	_ =	sdelay $0x1  }
0x48: {  	s0 =	rddreg [dreg:$0xe]  }
0x49: {  	[tilespmem:s0], [sflag:$0x1] =	stream.indirect_vreg.gather [hbm4b:s1+s3], $0x80, v4, vm0, $0xb8;
	[tilespmem:$0x18200] =	vst v63  }
0x4a: {  	s8 =	rddreg [dreg:$0xf]  }
0x4b: {  	[tilespmem:s8], [sflag:$0x1] =	stream.indirect_vreg.gather [hbm4b:s1+s3], $0x80, v3, vm0, $0xb8;
	[tilespmem:$0x18200] =	vst v63  }
0x4c: {  	v3 =	vld [tilespmem:$0x20];
	_ =	sdelay $0x4  }
0x4d: {  	v42 =	vshll.u32 v3, $0x1  }
0x4e: {  	v3 =	vand.u32 $0x7, v3;
	v4 =	vand.u32 $0xFFFFFFF0, v42  }
0x4f: {  	v3 =	vor.u32 v3, v4  }
0x50: {  	v4 =	vperm.xlane v3, v0;
	_ =	sdelay $0x1  }
0x51: {  	v3 =	vperm.xlane v3, v2;
	v4 =	vadd.s32 v1, v4;
	_ =	sdelay $0x1  }
0x52: {  	v3 =	vadd.s32 v1, v3;
	_ =	sdelay $0x1  }
0x53: {  	s0 =	rddreg [dreg:$0x10]  }
0x54: {  	[tilespmem:s0], [sflag:$0x1] =	stream.indirect_vreg.gather [hbm4b:s1+s3], $0x80, v4, vm0, $0xb8;
	[tilespmem:$0x18200] =	vst v63  }
0x55: {  	s8 =	rddreg [dreg:$0x11]  }
0x56: {  	[tilespmem:s8], [sflag:$0x1] =	stream.indirect_vreg.gather [hbm4b:s1+s3], $0x80, v3, vm0, $0xb8;
	[tilespmem:$0x18200] =	vst v63  }
0x57: {  	v3 =	vld [tilespmem:$0x30];
	_ =	sdelay $0x4  }
0x58: {  	v43 =	vshll.u32 v3, $0x1  }
0x59: {  	v3 =	vand.u32 $0x7, v3;
	v4 =	vand.u32 $0xFFFFFFF0, v43  }
0x5a: {  	v3 =	vor.u32 v3, v4  }
0x5b: {  	v4 =	vperm.xlane v3, v0;
	_ =	sdelay $0x1  }
0x5c: {  	v3 =	vperm.xlane v3, v2;
	v4 =	vadd.s32 v1, v4;
	_ =	sdelay $0x1  }
0x5d: {  	v3 =	vadd.s32 v1, v3;
	_ =	sdelay $0x1  }
0x5e: {  	s0 =	rddreg [dreg:$0x12]  }
0x5f: {  	[tilespmem:s0], [sflag:$0x1] =	stream.indirect_vreg.gather [hbm4b:s1+s3], $0x80, v4, vm0, $0xb8;
	[tilespmem:$0x18200] =	vst v63  }
0x60: {  	s8 =	rddreg [dreg:$0x13]  }
0x61: {  	[tilespmem:s8], [sflag:$0x1] =	stream.indirect_vreg.gather [hbm4b:s1+s3], $0x80, v3, vm0, $0xb8;
	[tilespmem:$0x18200] =	vst v63  }
0x62: {  	v3 =	vld [tilespmem:$0x40];
	_ =	sdelay $0x4  }
0x63: {  	v44 =	vshll.u32 v3, $0x1  }
0x64: {  	v3 =	vand.u32 $0x7, v3;
	v4 =	vand.u32 $0xFFFFFFF0, v44  }
0x65: {  	v3 =	vor.u32 v3, v4  }
0x66: {  	v4 =	vperm.xlane v3, v0;
	_ =	sdelay $0x1  }
0x67: {  	v3 =	vperm.xlane v3, v2;
	v4 =	vadd.s32 v1, v4;
	_ =	sdelay $0x1  }
0x68: {  	v3 =	vadd.s32 v1, v3;
	_ =	sdelay $0x1  }
0x69: {  	s0 =	rddreg [dreg:$0x14]  }
0x6a: {  	[tilespmem:s0], [sflag:$0x1] =	stream.indirect_vreg.gather [hbm4b:s1+s3], $0x80, v4, vm0, $0xb8;
	[tilespmem:$0x18200] =	vst v63  }
0x6b: {  	s8 =	rddreg [dreg:$0x15]  }
0x6c: {  	[tilespmem:s8], [sflag:$0x1] =	stream.indirect_vreg.gather [hbm4b:s1+s3], $0x80, v3, vm0, $0xb8;
	[tilespmem:$0x18200] =	vst v63  }
0x6d: {  	v3 =	vld [tilespmem:$0x50];
	_ =	sdelay $0x4  }
0x6e: {  	v45 =	vshll.u32 v3, $0x1  }
0x6f: {  	v3 =	vand.u32 $0x7, v3;
	v4 =	vand.u32 $0xFFFFFFF0, v45  }
0x70: {  	v3 =	vor.u32 v3, v4  }
0x71: {  	v4 =	vperm.xlane v3, v0;
	_ =	sdelay $0x1  }
0x72: {  	v3 =	vperm.xlane v3, v2;
	v4 =	vadd.s32 v1, v4;
	_ =	sdelay $0x1  }
0x73: {  	v3 =	vadd.s32 v1, v3;
	_ =	sdelay $0x1  }
0x74: {  	s0 =	rddreg [dreg:$0x16]  }
0x75: {  	[tilespmem:s0], [sflag:$0x1] =	stream.indirect_vreg.gather [hbm4b:s1+s3], $0x80, v4, vm0, $0xb8;
	[tilespmem:$0x18200] =	vst v63  }
0x76: {  	s8 =	rddreg [dreg:$0x17]  }
0x77: {  	[tilespmem:s8], [sflag:$0x1] =	stream.indirect_vreg.gather [hbm4b:s1+s3], $0x80, v3, vm0, $0xb8;
	[tilespmem:$0x18200] =	vst v63  }
0x78: {  	v3 =	vld [tilespmem:$0x60];
	_ =	sdelay $0x4  }
0x79: {  	v46 =	vshll.u32 v3, $0x1  }
0x7a: {  	v3 =	vand.u32 $0x7, v3;
	v4 =	vand.u32 $0xFFFFFFF0, v46  }
0x7b: {  	v3 =	vor.u32 v3, v4  }
0x7c: {  	v4 =	vperm.xlane v3, v0;
	_ =	sdelay $0x1  }
0x7d: {  	v3 =	vperm.xlane v3, v2;
	v4 =	vadd.s32 v1, v4;
	_ =	sdelay $0x1  }
0x7e: {  	v3 =	vadd.s32 v1, v3;
	_ =	sdelay $0x1  }
0x7f: {  	s0 =	rddreg [dreg:$0x18]  }
0x80: {  	[tilespmem:s0], [sflag:$0x1] =	stream.indirect_vreg.gather [hbm4b:s1+s3], $0x80, v4, vm0, $0xb8;
	[tilespmem:$0x18200] =	vst v63  }
0x81: {  	s8 =	rddreg [dreg:$0x19]  }
0x82: {  	[tilespmem:s8], [sflag:$0x1] =	stream.indirect_vreg.gather [hbm4b:s1+s3], $0x80, v3, vm0, $0xb8;
	[tilespmem:$0x18200] =	vst v63  }
0x83: {  	v3 =	vld [tilespmem:$0x70];
	_ =	sdelay $0x4  }
0x84: {  	v47 =	vshll.u32 v3, $0x1  }
0x85: {  	v3 =	vand.u32 $0x7, v3;
	v4 =	vand.u32 $0xFFFFFFF0, v47  }
0x86: {  	v3 =	vor.u32 v3, v4  }
0x87: {  	v4 =	vperm.xlane v3, v0;
	_ =	sdelay $0x1  }
0x88: {  	v3 =	vperm.xlane v3, v2;
	v4 =	vadd.s32 v1, v4;
	_ =	sdelay $0x1  }
0x89: {  	v3 =	vadd.s32 v1, v3;
	_ =	sdelay $0x1  }
0x8a: {  	s0 =	rddreg [dreg:$0x1a]  }
0x8b: {  	[tilespmem:s0], [sflag:$0x1] =	stream.indirect_vreg.gather [hbm4b:s1+s3], $0x80, v4, vm0, $0xb8;
	[tilespmem:$0x18200] =	vst v63  }
0x8c: {  	s8 =	rddreg [dreg:$0x1b]  }
0x8d: {  	[tilespmem:s8], [sflag:$0x1] =	stream.indirect_vreg.gather [hbm4b:s1+s3], $0x80, v3, vm0, $0xb8;
	[tilespmem:$0x18200] =	vst v63  }
0x8e: {  	v3 =	vld [tilespmem:$0x80];
	_ =	sdelay $0x4  }
0x8f: {  	v48 =	vshll.u32 v3, $0x1  }
0x90: {  	v3 =	vand.u32 $0x7, v3;
	v4 =	vand.u32 $0xFFFFFFF0, v48  }
0x91: {  	v3 =	vor.u32 v3, v4  }
0x92: {  	v4 =	vperm.xlane v3, v0;
	_ =	sdelay $0x1  }
0x93: {  	v3 =	vperm.xlane v3, v2;
	v4 =	vadd.s32 v1, v4;
	_ =	sdelay $0x1  }
0x94: {  	v3 =	vadd.s32 v1, v3;
	_ =	sdelay $0x2  }
0x95: {  	[tilespmem:s7], [sflag:$0x1] =	stream.indirect_vreg.gather [hbm4b:s1+s3], $0x80, v4, vm0, $0xb8;
	[tilespmem:$0x18200] =	vst v63  }
0x96: {  	s8 =	rddreg [dreg:$0x1c]  }
0x97: {  	[tilespmem:s8], [sflag:$0x1] =	stream.indirect_vreg.gather [hbm4b:s1+s3], $0x80, v3, vm0, $0xb8;
	[tilespmem:$0x18200] =	vst v63  }
0x98: {  	v3 =	vld [tilespmem:$0x90];
	_ =	sdelay $0x4  }
0x99: {  	v49 =	vshll.u32 v3, $0x1  }
0x9a: {  	v3 =	vand.u32 $0x7, v3;
	v4 =	vand.u32 $0xFFFFFFF0, v49  }
0x9b: {  	v3 =	vor.u32 v3, v4  }
0x9c: {  	v4 =	vperm.xlane v3, v0;
	_ =	sdelay $0x1  }
0x9d: {  	v3 =	vperm.xlane v3, v2;
	v4 =	vadd.s32 v1, v4;
	_ =	sdelay $0x1  }
0x9e: {  	v3 =	vadd.s32 v1, v3;
	_ =	sdelay $0x1  }
0x9f: {  	s0 =	rddreg [dreg:$0x1d]  }
0xa0: {  	[tilespmem:s0], [sflag:$0x1] =	stream.indirect_vreg.gather [hbm4b:s1+s3], $0x80, v4, vm0, $0xb8;
	[tilespmem:$0x18200] =	vst v63  }
0xa1: {  	s8 =	rddreg [dreg:$0x1e]  }
0xa2: {  	[tilespmem:s8], [sflag:$0x1] =	stream.indirect_vreg.gather [hbm4b:s1+s3], $0x80, v3, vm0, $0xb8;
	[tilespmem:$0x18200] =	vst v63  }
0xa3: {  	v3 =	vld [tilespmem:$0xA0];
	_ =	sdelay $0x4  }
0xa4: {  	v50 =	vshll.u32 v3, $0x1  }
0xa5: {  	v3 =	vand.u32 $0x7, v3;
	v4 =	vand.u32 $0xFFFFFFF0, v50  }
0xa6: {  	v3 =	vor.u32 v3, v4  }
0xa7: {  	v4 =	vperm.xlane v3, v0;
	_ =	sdelay $0x1  }
0xa8: {  	v3 =	vperm.xlane v3, v2;
	v4 =	vadd.s32 v1, v4;
	_ =	sdelay $0x1  }
0xa9: {  	v3 =	vadd.s32 v1, v3  }
0xaa: {  	s0 =	rddreg [dreg:$0x1f]  }
0xab: {  	s8 =	sld [smem:$0x7F9]  }
0xac: {  	[tilespmem:s0], [sflag:$0x1] =	stream.indirect_vreg.gather [hbm4b:s1+s3], $0x80, v4, vm0, $0xb8;
	[tilespmem:$0x18200] =	vst v63  }
0xad: {  	_ = 	snop  }
0xae: {  	[tilespmem:s8], [sflag:$0x1] =	stream.indirect_vreg.gather [hbm4b:s1+s3], $0x80, v3, vm0, $0xb8;
	[tilespmem:$0x18200] =	vst v63  }
0xaf: {  	v3 =	vld [tilespmem:$0xB0];
	_ =	sdelay $0x4  }
0xb0: {  	v51 =	vshll.u32 v3, $0x1  }
0xb1: {  	v3 =	vand.u32 $0x7, v3;
	v4 =	vand.u32 $0xFFFFFFF0, v51  }
0xb2: {  	v3 =	vor.u32 v3, v4  }
0xb3: {  	v4 =	vperm.xlane v3, v0;
	_ =	sdelay $0x1  }
0xb4: {  	v3 =	vperm.xlane v3, v2;
	v4 =	vadd.s32 v1, v4;
	_ =	sdelay $0x1  }
0xb5: {  	s0 =	sld [smem:$0x7FA];
	v3 =	vadd.s32 v1, v3;
	_ =	sdelay $0x1  }
0xb6: {  	s8 =	sld [smem:$0x7FB]  }
0xb7: {  	[tilespmem:s0], [sflag:$0x1] =	stream.indirect_vreg.gather [hbm4b:s1+s3], $0x80, v4, vm0, $0xb8;
	[tilespmem:$0x18200] =	vst v63  }
0xb8: {  	_ = 	snop  }
0xb9: {  	[tilespmem:s8], [sflag:$0x1] =	stream.indirect_vreg.gather [hbm4b:s1+s3], $0x80, v3, vm0, $0xb8;
	[tilespmem:$0x18200] =	vst v63  }
0xba: {  	v3 =	vld [tilespmem:$0xC0];
	_ =	sdelay $0x4  }
0xbb: {  	v52 =	vshll.u32 v3, $0x1  }
0xbc: {  	v3 =	vand.u32 $0x7, v3;
	v4 =	vand.u32 $0xFFFFFFF0, v52  }
0xbd: {  	v3 =	vor.u32 v3, v4  }
0xbe: {  	v4 =	vperm.xlane v3, v0;
	_ =	sdelay $0x1  }
0xbf: {  	v3 =	vperm.xlane v3, v2;
	v4 =	vadd.s32 v1, v4;
	_ =	sdelay $0x1  }
0xc0: {  	s0 =	sld [smem:$0x7FC];
	v3 =	vadd.s32 v1, v3;
	_ =	sdelay $0x1  }
0xc1: {  	s8 =	sld [smem:$0x7FD]  }
0xc2: {  	[tilespmem:s0], [sflag:$0x1] =	stream.indirect_vreg.gather [hbm4b:s1+s3], $0x80, v4, vm0, $0xb8;
	[tilespmem:$0x18200] =	vst v63  }
0xc3: {  	_ = 	snop  }
0xc4: {  	[tilespmem:s8], [sflag:$0x1] =	stream.indirect_vreg.gather [hbm4b:s1+s3], $0x80, v3, vm0, $0xb8;
	[tilespmem:$0x18200] =	vst v63  }
0xc5: {  	v3 =	vld [tilespmem:$0xD0];
	_ =	sdelay $0x4  }
0xc6: {  	v53 =	vshll.u32 v3, $0x1  }
0xc7: {  	v3 =	vand.u32 $0x7, v3;
	v4 =	vand.u32 $0xFFFFFFF0, v53  }
0xc8: {  	v3 =	vor.u32 v3, v4  }
0xc9: {  	v4 =	vperm.xlane v3, v0;
	_ =	sdelay $0x1  }
0xca: {  	v3 =	vperm.xlane v3, v2;
	v4 =	vadd.s32 v1, v4;
	_ =	sdelay $0x1  }
0xcb: {  	v3 =	vadd.s32 v1, v3;
	_ =	sdelay $0x1  }
0xcc: {  	s8 =	simm.s32 $0xD200  }
0xcd: {  	[tilespmem:s8], [sflag:$0x1] =	stream.indirect_vreg.gather [hbm4b:s1+s3], $0x80, v4, vm0, $0xb8;
	[tilespmem:$0x18200] =	vst v63  }
0xce: {  	_ = 	snop  }
0xcf: {  	[tilespmem:s9], [sflag:$0x1] =	stream.indirect_vreg.gather [hbm4b:s1+s3], $0x80, v3, vm0, $0xb8;
	[tilespmem:$0x18200] =	vst v63  }
0xd0: {  	v3 =	vld [tilespmem:$0xE0];
	_ =	sdelay $0x4  }
0xd1: {  	v54 =	vshll.u32 v3, $0x1  }
0xd2: {  	v3 =	vand.u32 $0x7, v3;
	v4 =	vand.u32 $0xFFFFFFF0, v54  }
0xd3: {  	v3 =	vor.u32 v3, v4  }
0xd4: {  	v4 =	vperm.xlane v3, v0;
	_ =	sdelay $0x1  }
0xd5: {  	v3 =	vperm.xlane v3, v2;
	v4 =	vadd.s32 v1, v4;
	_ =	sdelay $0x1  }
0xd6: {  	v3 =	vadd.s32 v1, v3;
	_ =	sdelay $0x2  }
0xd7: {  	[tilespmem:s10], [sflag:$0x1] =	stream.indirect_vreg.gather [hbm4b:s1+s3], $0x80, v4, vm0, $0xb8;
	[tilespmem:$0x18200] =	vst v63  }
0xd8: {  	_ = 	snop  }
0xd9: {  	[tilespmem:s11], [sflag:$0x1] =	stream.indirect_vreg.gather [hbm4b:s1+s3], $0x80, v3, vm0, $0xb8;
	[tilespmem:$0x18200] =	vst v63  }
0xda: {  	v3 =	vld [tilespmem:$0xF0];
	_ =	sdelay $0x4  }
0xdb: {  	v55 =	vshll.u32 v3, $0x1  }
0xdc: {  	v3 =	vand.u32 $0x7, v3;
	v4 =	vand.u32 $0xFFFFFFF0, v55  }
0xdd: {  	v3 =	vor.u32 v3, v4  }
0xde: {  	v4 =	vperm.xlane v3, v0;
	_ =	sdelay $0x1  }
0xdf: {  	v3 =	vperm.xlane v3, v2;
	v4 =	vadd.s32 v1, v4;
	_ =	sdelay $0x1  }
0xe0: {  	v3 =	vadd.s32 v1, v3;
	_ =	sdelay $0x2  }
0xe1: {  	[tilespmem:s12], [sflag:$0x1] =	stream.indirect_vreg.gather [hbm4b:s1+s3], $0x80, v4, vm0, $0xb8;
	[tilespmem:$0x18200] =	vst v63  }
0xe2: {  	_ = 	snop  }
0xe3: {  	[tilespmem:s13], [sflag:$0x1] =	stream.indirect_vreg.gather [hbm4b:s1+s3], $0x80, v3, vm0, $0xb8;
	[tilespmem:$0x18200] =	vst v63  }
0xe4: {  	v3 =	vld [tilespmem:$0x100];
	_ =	sdelay $0x4  }
0xe5: {  	v56 =	vshll.u32 v3, $0x1  }
0xe6: {  	v3 =	vand.u32 $0x7, v3;
	v4 =	vand.u32 $0xFFFFFFF0, v56  }
0xe7: {  	v3 =	vor.u32 v3, v4  }
0xe8: {  	v4 =	vperm.xlane v3, v0;
	_ =	sdelay $0x1  }
0xe9: {  	v3 =	vperm.xlane v3, v2;
	v4 =	vadd.s32 v1, v4;
	_ =	sdelay $0x1  }
0xea: {  	v3 =	vadd.s32 v1, v3;
	_ =	sdelay $0x2  }
0xeb: {  	[tilespmem:s14], [sflag:$0x1] =	stream.indirect_vreg.gather [hbm4b:s1+s3], $0x80, v4, vm0, $0xb8;
	[tilespmem:$0x18200] =	vst v63  }
0xec: {  	_ = 	snop  }
0xed: {  	[tilespmem:s15], [sflag:$0x1] =	stream.indirect_vreg.gather [hbm4b:s1+s3], $0x80, v3, vm0, $0xb8;
	[tilespmem:$0x18200] =	vst v63  }
0xee: {  	v3 =	vld [tilespmem:$0x110];
	_ =	sdelay $0x4  }
0xef: {  	v57 =	vshll.u32 v3, $0x1  }
0xf0: {  	v3 =	vand.u32 $0x7, v3;
	v4 =	vand.u32 $0xFFFFFFF0, v57  }
0xf1: {  	v3 =	vor.u32 v3, v4  }
0xf2: {  	v4 =	vperm.xlane v3, v0;
	_ =	sdelay $0x1  }
0xf3: {  	v3 =	vperm.xlane v3, v2;
	v4 =	vadd.s32 v1, v4;
	_ =	sdelay $0x1  }
0xf4: {  	v3 =	vadd.s32 v1, v3;
	_ =	sdelay $0x2  }
0xf5: {  	[tilespmem:s16], [sflag:$0x1] =	stream.indirect_vreg.gather [hbm4b:s1+s3], $0x80, v4, vm0, $0xb8;
	[tilespmem:$0x18200] =	vst v63  }
0xf6: {  	_ = 	snop  }
0xf7: {  	[tilespmem:s17], [sflag:$0x1] =	stream.indirect_vreg.gather [hbm4b:s1+s3], $0x80, v3, vm0, $0xb8;
	[tilespmem:$0x18200] =	vst v63  }
0xf8: {  	v3 =	vld [tilespmem:$0x120];
	_ =	sdelay $0x4  }
0xf9: {  	v58 =	vshll.u32 v3, $0x1  }
0xfa: {  	v3 =	vand.u32 $0x7, v3;
	v4 =	vand.u32 $0xFFFFFFF0, v58  }
0xfb: {  	v3 =	vor.u32 v3, v4  }
0xfc: {  	v4 =	vperm.xlane v3, v0;
	_ =	sdelay $0x1  }
0xfd: {  	v3 =	vperm.xlane v3, v2;
	v4 =	vadd.s32 v1, v4;
	_ =	sdelay $0x1  }
0xfe: {  	v3 =	vadd.s32 v1, v3;
	_ =	sdelay $0x2  }
0xff: {  	[tilespmem:s18], [sflag:$0x1] =	stream.indirect_vreg.gather [hbm4b:s1+s3], $0x80, v4, vm0, $0xb8;
	[tilespmem:$0x18200] =	vst v63  }
0x100: {  	_ = 	snop  }
0x101: {  	[tilespmem:s19], [sflag:$0x1] =	stream.indirect_vreg.gather [hbm4b:s1+s3], $0x80, v3, vm0, $0xb8;
	[tilespmem:$0x18200] =	vst v63  }
0x102: {  	v3 =	vld [tilespmem:$0x130];
	_ =	sdelay $0x4  }
0x103: {  	v59 =	vshll.u32 v3, $0x1  }
0x104: {  	v3 =	vand.u32 $0x7, v3;
	v4 =	vand.u32 $0xFFFFFFF0, v59  }
0x105: {  	v3 =	vor.u32 v3, v4  }
0x106: {  	v4 =	vperm.xlane v3, v0;
	_ =	sdelay $0x1  }
0x107: {  	v3 =	vperm.xlane v3, v2;
	v4 =	vadd.s32 v1, v4;
	_ =	sdelay $0x1  }
0x108: {  	v3 =	vadd.s32 v1, v3;
	_ =	sdelay $0x2  }
0x109: {  	[tilespmem:s20], [sflag:$0x1] =	stream.indirect_vreg.gather [hbm4b:s1+s3], $0x80, v4, vm0, $0xb8;
	[tilespmem:$0x18200] =	vst v63  }
0x10a: {  	_ = 	snop  }
0x10b: {  	[tilespmem:s21], [sflag:$0x1] =	stream.indirect_vreg.gather [hbm4b:s1+s3], $0x80, v3, vm0, $0xb8;
	[tilespmem:$0x18200] =	vst v63  }
0x10c: {  	v3 =	vld [tilespmem:$0x140];
	_ =	sdelay $0x4  }
0x10d: {  	v60 =	vshll.u32 v3, $0x1  }
0x10e: {  	v3 =	vand.u32 $0x7, v3;
	v4 =	vand.u32 $0xFFFFFFF0, v60  }
0x10f: {  	v3 =	vor.u32 v3, v4  }
0x110: {  	v4 =	vperm.xlane v3, v0;
	_ =	sdelay $0x1  }
0x111: {  	v3 =	vperm.xlane v3, v2;
	v4 =	vadd.s32 v1, v4;
	_ =	sdelay $0x1  }
0x112: {  	v3 =	vadd.s32 v1, v3;
	_ =	sdelay $0x2  }
0x113: {  	[tilespmem:s22], [sflag:$0x1] =	stream.indirect_vreg.gather [hbm4b:s1+s3], $0x80, v4, vm0, $0xb8;
	[tilespmem:$0x18200] =	vst v63  }
0x114: {  	_ = 	snop  }
0x115: {  	[tilespmem:s23], [sflag:$0x1] =	stream.indirect_vreg.gather [hbm4b:s1+s3], $0x80, v3, vm0, $0xb8;
	[tilespmem:$0x18200] =	vst v63  }
0x116: {  	v3 =	vld [tilespmem:$0x150];
	_ =	sdelay $0x4  }
0x117: {  	v61 =	vshll.u32 v3, $0x1  }
0x118: {  	v3 =	vand.u32 $0x7, v3;
	v4 =	vand.u32 $0xFFFFFFF0, v61  }
0x119: {  	v3 =	vor.u32 v3, v4  }
0x11a: {  	v4 =	vperm.xlane v3, v0;
	_ =	sdelay $0x1  }
0x11b: {  	v3 =	vperm.xlane v3, v2;
	v4 =	vadd.s32 v1, v4;
	_ =	sdelay $0x1  }
0x11c: {  	v3 =	vadd.s32 v1, v3;
	_ =	sdelay $0x2  }
0x11d: {  	[tilespmem:s24], [sflag:$0x1] =	stream.indirect_vreg.gather [hbm4b:s1+s3], $0x80, v4, vm0, $0xb8;
	[tilespmem:$0x18200] =	vst v63  }
0x11e: {  	_ = 	snop  }
0x11f: {  	[tilespmem:s25], [sflag:$0x1] =	stream.indirect_vreg.gather [hbm4b:s1+s3], $0x80, v3, vm0, $0xb8;
	[tilespmem:$0x18200] =	vst v63  }
0x120: {  	v3 =	vld [tilespmem:$0x160];
	_ =	sdelay $0x4  }
0x121: {  	v62 =	vshll.u32 v3, $0x1  }
0x122: {  	v3 =	vand.u32 $0x7, v3;
	v4 =	vand.u32 $0xFFFFFFF0, v62  }
0x123: {  	v3 =	vor.u32 v3, v4  }
0x124: {  	v4 =	vperm.xlane v3, v0;
	_ =	sdelay $0x1  }
0x125: {  	v3 =	vperm.xlane v3, v2;
	v4 =	vadd.s32 v1, v4;
	_ =	sdelay $0x1  }
0x126: {  	v3 =	vadd.s32 v1, v3;
	_ =	sdelay $0x2  }
0x127: {  	[tilespmem:s26], [sflag:$0x1] =	stream.indirect_vreg.gather [hbm4b:s1+s3], $0x80, v4, vm0, $0xb8;
	[tilespmem:$0x18200] =	vst v63  }
0x128: {  	_ = 	snop  }
0x129: {  	[tilespmem:s28], [sflag:$0x1] =	stream.indirect_vreg.gather [hbm4b:s1+s3], $0x80, v3, vm0, $0xb8;
	[tilespmem:$0x18200] =	vst v63  }
0x12a: {  	v3 =	vld [tilespmem:$0x170];
	_ =	sdelay $0x4  }
0x12b: {  	v63 =	vshll.u32 v3, $0x1  }
0x12c: {  	v3 =	vand.u32 $0x7, v3;
	v4 =	vand.u32 $0xFFFFFFF0, v63  }
0x12d: {  	v3 =	vor.u32 v3, v4  }
0x12e: {  	v4 =	vperm.xlane v3, v0;
	_ =	sdelay $0x1  }
0x12f: {  	v3 =	vperm.xlane v3, v2;
	v4 =	vadd.s32 v1, v4;
	_ =	sdelay $0x1  }
0x130: {  	v3 =	vadd.s32 v1, v3;
	_ =	sdelay $0x2  }
0x131: {  	[tilespmem:s29], [sflag:$0x1] =	stream.indirect_vreg.gather [hbm4b:s1+s3], $0x80, v4, vm0, $0xb8;
	[tilespmem:$0x18200] =	vst v63  }
0x132: {  	_ = 	snop  }
0x133: {  	[tilespmem:s30], [sflag:$0x1] =	stream.indirect_vreg.gather [hbm4b:s1+s3], $0x80, v3, vm0, $0xb8;
	[tilespmem:$0x18200] =	vst v63  }
0x134: {  	_ =	swait.ge [sflag:s31], $0x8000  }
0x135: {  	[sflag:s31] =	ssyncset.done $0x0  }
0x136: {  	s8 =	rddreg [dreg:$0x8];
	[sflag:s31] =	ssyncadd.s32 $0xFFFF8000  }
0x137: {  	[hbm4b:s8+s3] =	stream.linear.scatter [tilespmem:s6], [sflag:$0x2], $0x8000, $0x38;
	[tilespmem:$0x18200] =	vst v63  }
0x138: {  	_ =	swait.ge [sflag:s31], $0x8000  }
0x139: {  	[sflag:s31] =	ssyncset.done $0x0  }
0x13a: {  	s8 =	rddreg [dreg:$0x9];
	[sflag:s31] =	ssyncadd.s32 $0xFFFF8000  }
0x13b: {  	[hbm4b:s8+s3] =	stream.linear.scatter [tilespmem:s7], [sflag:$0x2], $0x8000, $0x38;
	[tilespmem:$0x18200] =	vst v63  }
0x13c: {  	_ =	swait.ge [sflag:s31], $0x8000  }
0x13d: {  	[sflag:s31] =	ssyncset.done $0x0  }
0x13e: {  	s8 =	rddreg [dreg:$0xa];
	[sflag:s31] =	ssyncadd.s32 $0xFFFF8000  }
0x13f: {  	[hbm4b:s8+s3] =	stream.linear.scatter [tilespmem:s14], [sflag:$0x2], $0x8000, $0x38;
	[tilespmem:$0x18200] =	vst v63  }
0x140: {  	_ =	swait.ge [sflag:s2], $0x8000  }
0x141: {  	[sflag:s2] =	ssyncset.done $0x0  }
0x142: {  	[sflag:s2] =	ssyncadd.s32 $0xFFFF8000  }
0x143: {  	p0 =	sne.s32 s4, $0x1;
	_ =	swait.ge [sflag:s2], $0x8000  }
.Ltmp0:
0x144: {  	[sflag:s2] =	ssyncset.done $0x0;
	(pc) =	sbr.rel @p0 .LBB2_1-.Ltmp0, $4  }
0x145: {  	[sflag:s2] =	ssyncadd.s32 $0xFFFF8000  }
0x146: {  	_ =	swait.ge [sflag:s2], $0x8000  }
0x147: {  	[sflag:s2] =	ssyncset.done $0x0  }
0x148: {  	s4 =	sadd.s32 $0xFFFFFFFF, s4;
	[sflag:s2] =	ssyncadd.s32 $0xFFFF8000  }
0x149: {  	_ =	sfence.sel $0x180000  }
0x14a: {  	[bflag:$0x0] =	sbarrier.arrive $0xFFFF  }
0x14b: {  	_ =	strace $0x90000047  }
0x14c: {  	s0 =	stileid.u32;
	[bflag:$0x2] =	sbarrier.arrive $0xFFFF  }
0x14d: {  	p0 =	sne.s32 s0, $0x0;
	s0 =	rddreg [dreg:$0x4]  }
0x14e: {  	s0 =	sadd.s32 @!p0 $0x100000, s0  }
0x14f: {  	[sflag:s0] =	ssyncadd.tile.s32 @!p0 $0x1;
	_ =	shalt  }
.Lfunc_end2:
_tile_overlayer_lowered:
.L_overlay_start_2:
0x150: {  	(tag) =	ssettag $0x2  }
0x151: {  	s0 =	rddreg [dreg:$0x0];
	s2 =	stileid.u32  }
0x152: {  	s1 =	rddreg [dreg:$0x1];
	p0 =	sne.s32 s2, $0x0  }
0x153: {  	s3 =	rddreg [dreg:$0x2];
	[bflag:$0x3] =	sbarrier.arrive $0xFFFF;
	s2 =	simm.s32 @!p0 $0x1C03  }
0x154: {  	[timem:s3], [sflag:s2] =	dma.local @!p0 [hbm:s0], s1  }
0x155: {  	s0 =	simm.s32 @!p0 $0x3  }
0x156: {  	_ =	swait.ge @!p0 [sflag:s0], s1  }
0x157: {  	s1 =	ssub.s32 @!p0 $0x0, s1;
	[sflag:s0] =	ssyncset.done @!p0 $0x0  }
0x158: {  	[sflag:s0] =	ssyncadd.s32 @!p0 s1  }
0x159: {  	[bflag:$0x3] =	sbarrier.arrive $0xFFFF  }
0x15a: {  	_ =	shalt  }

</sc_bundles>
